<compile_context>
chip_gen: v7x
topology: tpu7x:2x2x1
jax: 0.10.2.dev20260603
libtpu: 0.0.44.dev20260713+nightly
codegen_flags: <defaults>
</compile_context>

<pallas_src>
import functools

import jax
import jax.numpy as jnp
from jax import lax
from jax.experimental import pallas as pl
from jax.experimental.pallas import tpu as pltpu
from jax.experimental.pallas import tpu_sc as plsc

_NUM_WORKERS = 32
_SEGS = (76800, 102400, 140800)
_CHUNKS = (200, 320, 400)
_BE = 2560


def kernel(V_set, E_set, node_ids):
    V = V_set[0]
    M, De = E_set.shape[1], E_set.shape[2]
    D = V.shape[1]
    E_t = E_set[0].T
    idxp = jnp.pad(node_ids.astype(jnp.int32), ((0, 0), (0, (-M) % 1024)))
    seg_starts = [sum(_SEGS[:i]) for i in range(len(_SEGS))]

    mesh = plsc.VectorSubcoreMesh(core_axis_name="c", subcore_axis_name="s")

    def make_gather(seg):
        segM = _SEGS[seg]
        seg_start = seg_starts[seg]
        chunk = _CHUNKS[seg]
        b_per_w = segM // _NUM_WORKERS
        n_chunks = b_per_w // chunk
        n_pairs = n_chunks // 2
        @functools.partial(
            pl.kernel,
            mesh=mesh,
            out_type=jax.ShapeDtypeStruct((segM, D), jnp.float32),
            scratch_types=[
                pltpu.VMEM((chunk,), jnp.int32),
                pltpu.VMEM((chunk,), jnp.int32),
                pltpu.VMEM((chunk, D), jnp.float32),
                pltpu.VMEM((chunk, D), jnp.float32),
                pltpu.SemaphoreType.DMA,
                pltpu.SemaphoreType.DMA,
                pltpu.SemaphoreType.DMA,
                pltpu.SemaphoreType.DMA,
            ],
            compiler_params=pltpu.CompilerParams(use_tc_tiling_on_sc=False),
        )
        def _gather(v_hbm, idx_hbm, g_hbm, idx0, idx1, rows0, rows1,
                    g0, g1, o0, o1):
            wid = lax.axis_index("s") * 2 + lax.axis_index("c")
            base = seg_start + wid * b_per_w
            obase = wid * b_per_w
            idxs = (idx0, idx1)
            rows = (rows0, rows1)
            sg = (g0, g1)
            so = (o0, o1)

            def gather_start(c, b):
                pltpu.sync_copy(
                    idx_hbm.at[0, pl.ds(base + c * chunk, chunk)], idxs[b])
                pltpu.make_async_copy(v_hbm.at[idxs[b]], rows[b],
                                      sg[b]).start()

            def gather_wait(b):
                pltpu.make_async_copy(v_hbm.at[idxs[b]], rows[b],
                                      sg[b]).wait()

            def out_start(c, b):
                pltpu.make_async_copy(
                    rows[b], g_hbm.at[pl.ds(obase + c * chunk, chunk)],
                    so[b]).start()

            def out_wait(b):
                pltpu.make_async_copy(
                    rows[b], g_hbm.at[pl.ds(0, chunk)], so[b]).wait()

            gather_start(0, 0)

            def body(c2, carry):
                for b in (0, 1):
                    c = 2 * c2 + b
                    gather_wait(b)
                    out_start(c, b)
                    nb = 1 - b
                    if b == 0:
                        @pl.when(c2 >= 1)
                        def _():
                            out_wait(nb)
                        gather_start(c + 1, nb)
                    elif n_chunks % 2 == 1:
                        out_wait(nb)
                        gather_start(c + 1, nb)
                    else:
                        @pl.when(c2 < n_pairs - 1)
                        def _():
                            out_wait(nb)
                            gather_start(c + 1, nb)
                return carry

            lax.fori_loop(0, n_pairs, body, 0)
            if n_chunks % 2 == 1:
                gather_wait(0)
                out_start(n_chunks - 1, 0)
                out_wait(1)
                out_wait(0)
            else:
                out_wait(0)
                out_wait(1)

        return _gather

    Gs = [make_gather(s)(V, idxp) for s in range(len(_SEGS))]

    out_t = None
    for s in range(len(_SEGS)):
        nb_seg = _SEGS[s] // _BE
        boff = seg_starts[s] // _BE
        def _concat(*refs, _s=s):
            e_ref, g_ref = refs[0], refs[1]
            o_ref = refs[-1]
            o_ref[0:De, :] = e_ref[...]
            o_ref[De:De + D, :] = g_ref[...].T

        in_specs = [
            pl.BlockSpec((De, _BE), lambda i, _b=boff: (0, i + _b)),
            pl.BlockSpec((_BE, D), lambda i: (i, 0)),
        ]
        operands = [E_t, Gs[s]]
        aliases = {}
        if s > 0:
            in_specs.append(pl.BlockSpec(memory_space=pl.ANY))
            operands.append(out_t)
            aliases = {2: 0}
        out_t = pl.pallas_call(
            _concat,
            grid=(nb_seg,),
            in_specs=in_specs,
            out_specs=pl.BlockSpec((De + D, _BE),
                                   lambda i, _b=boff: (0, i + _b)),
            out_shape=jax.ShapeDtypeStruct((De + D, M), jnp.float32),
            input_output_aliases=aliases,
        )(*operands)

    return out_t.T[jnp.newaxis]

# --- scband reference (transcript-rebuilt; emitter-appended) ---
"""Pipeline reference for scband-concat-edge-with-single-end-layer-86028194939136 (READ-ONLY COPY).

The authoritative reference and input builder live on the scoring server;
editing this copy changes nothing except your own understanding.
"""

import jax, jax.numpy as jnp
import numpy as np

N_NODES = 10000
N_EDGES = 320000
D_FEAT = 128
D_EDGE = 16

def setup_inputs(seed: int = 0) -> dict:
    key = jax.random.key(seed)
    k1, k2, k3 = jax.random.split(key, 3)
    V_set = jax.random.normal(k1, (1, N_NODES, D_FEAT), dtype=jnp.float32)
    E_set = jax.random.normal(k2, (1, N_EDGES, D_EDGE), dtype=jnp.float32)
    node_ids = jax.random.randint(k3, (1, N_EDGES), 0, N_NODES, dtype=jnp.int64 if jax.config.jax_enable_x64 else jnp.int32)
    return {"V_set": V_set, "E_set": E_set, "node_ids": node_ids}

def reference(V_set, E_set, node_ids):
    # Faithful translation of: tf.concat([E_set[0], tf.gather(V_set[0], node_ids[0])], axis=-1)[tf.newaxis, ...]
    gathered = jnp.take(V_set[0], node_ids[0], axis=0)  # [E, d_feat]
    out = jnp.concatenate([E_set[0], gathered], axis=-1)  # [E, d_edge + d_feat]
    return out[jnp.newaxis, ...]  # [1, E, d_edge + d_feat]

if __name__ == "__main__":
    import jax
    _d = setup_inputs()
    print(jax.jit(kernel)(*tuple(_d.values())))

</pallas_src>

<mosaic_0001>
#map = affine_map<(d0, d1) -> (0, 0)>
module attributes {stable_mosaic.version = 14 : i64} {
  func.func @_gather(%arg0: i32, %arg1: i32, %arg2: memref<10000x128xf32, #tpu.memory_space<hbm>>, %arg3: memref<1x320512xi32, #tpu.memory_space<hbm>>, %arg4: memref<76800x128xf32, #tpu.memory_space<hbm>>, %arg5: memref<200xi32, #tpu.memory_space<vmem>>, %arg6: memref<200xi32, #tpu.memory_space<vmem>>, %arg7: memref<200x128xf32, #tpu.memory_space<vmem>>, %arg8: memref<200x128xf32, #tpu.memory_space<vmem>>, %arg9: memref<!tpu.dma_semaphore, #tpu.memory_space<semaphore_mem>>, %arg10: memref<!tpu.dma_semaphore, #tpu.memory_space<semaphore_mem>>, %arg11: memref<!tpu.dma_semaphore, #tpu.memory_space<semaphore_mem>>, %arg12: memref<!tpu.dma_semaphore, #tpu.memory_space<semaphore_mem>>) attributes {dimension_semantics = [#tpu.dimension_semantics<core_parallel>, #tpu.dimension_semantics<subcore_parallel>], iteration_bounds = array<i64: 2, 16>, scalar_prefetch = 0 : i64, scratch_operands = 8 : i64, tpu.core_type = #tpu.core_type<sc_vector_subcore>, window_params = [{transform_indices = #map}, {transform_indices = #map}, {transform_indices = #map}]} {
    %mul3A = arith.constant 2 : i32
    %mul3A_0 = arith.muli %arg1, %mul3A : i32
    %add3A = arith.addi %mul3A_0, %arg0 : i32
    %mul3A_1 = arith.constant 2400 : i32
    %mul3A_2 = arith.muli %add3A, %mul3A_1 : i32
    %add3A_3 = arith.constant 0 : i32
    %add3A_4 = arith.addi %add3A_3, %mul3A_2 : i32
    %mul3A_5 = arith.constant 2400 : i32
    %mul3A_6 = arith.muli %add3A, %mul3A_5 : i32
    %add3A_7 = arith.constant 0 : i32
    %add3A_8 = arith.addi %add3A_4, %add3A_7 : i32
    %run_scoped3A = arith.constant 0 : i32
    "tpu.region"() ({
      %run_scoped3A_27 = tpu.sem_alloc : memref<!tpu.dma_semaphore, #tpu.memory_space<semaphore_mem>>
      %dma_start3A_28 = tpu.memref_slice %arg3[%run_scoped3A, %add3A_8] : memref<1x320512xi32, #tpu.memory_space<hbm>> -> memref<1x200xi32, #tpu.memory_space<hbm>>
      %dma_start3A_29 = tpu.memref_squeeze %dma_start3A_28 : memref<1x200xi32, #tpu.memory_space<hbm>> -> memref<200xi32, #tpu.memory_space<hbm>>
      %dma_start3A_30 = tpu.memref_slice %arg3[%run_scoped3A, %add3A_8] : memref<1x320512xi32, #tpu.memory_space<hbm>> -> memref<1x200xi32, #tpu.memory_space<hbm>>
      %dma_start3A_31 = tpu.memref_squeeze %dma_start3A_30 : memref<1x200xi32, #tpu.memory_space<hbm>> -> memref<200xi32, #tpu.memory_space<hbm>>
      tpu.enqueue_dma source(%dma_start3A_31 : memref<200xi32, #tpu.memory_space<hbm>>) target(%arg5 : memref<200xi32, #tpu.memory_space<vmem>>) target_semaphore(%run_scoped3A_27 : memref<!tpu.dma_semaphore, #tpu.memory_space<semaphore_mem>>)
      %dma_wait3A_32 = tpu.memref_slice %arg3[%run_scoped3A, %add3A_8] : memref<1x320512xi32, #tpu.memory_space<hbm>> -> memref<1x200xi32, #tpu.memory_space<hbm>>
      %dma_wait3A_33 = tpu.memref_squeeze %dma_wait3A_32 : memref<1x200xi32, #tpu.memory_space<hbm>> -> memref<200xi32, #tpu.memory_space<hbm>>
      %dma_wait3A_34 = tpu.memref_slice %arg3[%run_scoped3A, %add3A_8] : memref<1x320512xi32, #tpu.memory_space<hbm>> -> memref<1x200xi32, #tpu.memory_space<hbm>>
      %dma_wait3A_35 = tpu.memref_squeeze %dma_wait3A_34 : memref<1x200xi32, #tpu.memory_space<hbm>> -> memref<200xi32, #tpu.memory_space<hbm>>
      tpu.wait_dma2 semaphore(%run_scoped3A_27 : memref<!tpu.dma_semaphore, #tpu.memory_space<semaphore_mem>>) src(%dma_wait3A_35 : memref<200xi32, #tpu.memory_space<hbm>>) dst(%arg5 : memref<200xi32, #tpu.memory_space<vmem>>)
      tpu.yield
    }) : () -> ()
    %dma_start3A = arith.constant 0 : i32
    %dma_start3A_9 = arith.constant 0 : i32
    %dma_start3A_10 = tpu.memref_slice %arg2[%dma_start3A, %dma_start3A_9] : memref<10000x128xf32, #tpu.memory_space<hbm>> -> memref<10000x128xf32, #tpu.memory_space<hbm>>
    tpu.enqueue_indirect_dma source(%dma_start3A_10 : memref<10000x128xf32, #tpu.memory_space<hbm>>) target(%arg7 : memref<200x128xf32, #tpu.memory_space<vmem>>) offsets(%arg5 : memref<200xi32, #tpu.memory_space<vmem>>) semaphore(%arg9 : memref<!tpu.dma_semaphore, #tpu.memory_space<semaphore_mem>>)
    %scan3A = arith.constant 0 : i32
    %scan3A_11 = arith.constant 0 : i32
    %scan3A_12 = arith.constant 6 : i32
    %scan3A_13 = arith.addi %scan3A_11, %scan3A_12 : i32
    %scan3A_14 = arith.constant 1 : i32
    scf.for %scan3A_27 = %scan3A_11 to %scan3A_13 step %scan3A_14  : i32 {
      %mul3A_28 = arith.constant 2 : i32
      %mul3A_29 = arith.muli %mul3A_28, %scan3A_27 : i32
      %add3A_30 = arith.constant 0 : i32
      %add3A_31 = arith.addi %mul3A_29, %add3A_30 : i32
      %dma_wait3A_32 = arith.constant 0 : i32
      %dma_wait3A_33 = arith.constant 0 : i32
      %dma_wait3A_34 = tpu.memref_slice %arg2[%dma_wait3A_32, %dma_wait3A_33] : memref<10000x128xf32, #tpu.memory_space<hbm>> -> memref<10000x128xf32, #tpu.memory_space<hbm>>
      tpu.wait_indirect_dma semaphore(%arg9 : memref<!tpu.dma_semaphore, #tpu.memory_space<semaphore_mem>>) src(%dma_wait3A_34 : memref<10000x128xf32, #tpu.memory_space<hbm>>) dst(%arg7 : memref<200x128xf32, #tpu.memory_space<vmem>>)
      %mul3A_35 = arith.constant 200 : i32
      %mul3A_36 = arith.muli %add3A_31, %mul3A_35 : i32
      %add3A_37 = arith.addi %mul3A_6, %mul3A_36 : i32
      %dma_start3A_38 = arith.constant 0 : i32
      %dma_start3A_39 = tpu.memref_slice %arg4[%add3A_37, %dma_start3A_38] : memref<76800x128xf32, #tpu.memory_space<hbm>> -> memref<200x128xf32, #tpu.memory_space<hbm>>
      %dma_start3A_40 = arith.constant 0 : i32
      %dma_start3A_41 = tpu.memref_slice %arg4[%add3A_37, %dma_start3A_40] : memref<76800x128xf32, #tpu.memory_space<hbm>> -> memref<200x128xf32, #tpu.memory_space<hbm>>
      tpu.enqueue_dma source(%arg7 : memref<200x128xf32, #tpu.memory_space<vmem>>) target(%dma_start3A_41 : memref<200x128xf32, #tpu.memory_space<hbm>>) target_semaphore(%arg11 : memref<!tpu.dma_semaphore, #tpu.memory_space<semaphore_mem>>)
      %ge3A = arith.constant 1 : i32
      %ge3A_42 = arith.cmpi sge, %scan3A_27, %ge3A : i32
      %convert_element_type3A = arith.extui %ge3A_42 : i1 to i32
      %cond3A = arith.constant 0 : i32
      %cond3A_43 = arith.cmpi ne, %convert_element_type3A, %cond3A : i32
      scf.if %cond3A_43 {
        %dma_wait3A_71 = arith.constant 0 : i32
        %dma_wait3A_72 = arith.constant 0 : i32
        %dma_wait3A_73 = tpu.memref_slice %arg4[%dma_wait3A_71, %dma_wait3A_72] : memref<76800x128xf32, #tpu.memory_space<hbm>> -> memref<200x128xf32, #tpu.memory_space<hbm>>
        %dma_wait3A_74 = arith.constant 0 : i32
        %dma_wait3A_75 = arith.constant 0 : i32
        %dma_wait3A_76 = tpu.memref_slice %arg4[%dma_wait3A_74, %dma_wait3A_75] : memref<76800x128xf32, #tpu.memory_space<hbm>> -> memref<200x128xf32, #tpu.memory_space<hbm>>
        tpu.wait_dma2 semaphore(%arg12 : memref<!tpu.dma_semaphore, #tpu.memory_space<semaphore_mem>>) src(%arg8 : memref<200x128xf32, #tpu.memory_space<vmem>>) dst(%dma_wait3A_76 : memref<200x128xf32, #tpu.memory_space<hbm>>)
      } else {
      }
      %add3A_44 = arith.constant 1 : i32
      %add3A_45 = arith.addi %add3A_31, %add3A_44 : i32
      %mul3A_46 = arith.constant 200 : i32
      %mul3A_47 = arith.muli %add3A_45, %mul3A_46 : i32
      %add3A_48 = arith.addi %add3A_4, %mul3A_47 : i32
      %run_scoped3A_49 = arith.constant 0 : i32
      "tpu.region"() ({
        %run_scoped3A_71 = tpu.sem_alloc : memref<!tpu.dma_semaphore, #tpu.memory_space<semaphore_mem>>
        %dma_start3A_72 = tpu.memref_slice %arg3[%run_scoped3A_49, %add3A_48] : memref<1x320512xi32, #tpu.memory_space<hbm>> -> memref<1x200xi32, #tpu.memory_space<hbm>>
        %dma_start3A_73 = tpu.memref_squeeze %dma_start3A_72 : memref<1x200xi32, #tpu.memory_space<hbm>> -> memref<200xi32, #tpu.memory_space<hbm>>
        %dma_start3A_74 = tpu.memref_slice %arg3[%run_scoped3A_49, %add3A_48] : memref<1x320512xi32, #tpu.memory_space<hbm>> -> memref<1x200xi32, #tpu.memory_space<hbm>>
        %dma_start3A_75 = tpu.memref_squeeze %dma_start3A_74 : memref<1x200xi32, #tpu.memory_space<hbm>> -> memref<200xi32, #tpu.memory_space<hbm>>
        tpu.enqueue_dma source(%dma_start3A_75 : memref<200xi32, #tpu.memory_space<hbm>>) target(%arg6 : memref<200xi32, #tpu.memory_space<vmem>>) target_semaphore(%run_scoped3A_71 : memref<!tpu.dma_semaphore, #tpu.memory_space<semaphore_mem>>)
        %dma_wait3A_76 = tpu.memref_slice %arg3[%run_scoped3A_49, %add3A_48] : memref<1x320512xi32, #tpu.memory_space<hbm>> -> memref<1x200xi32, #tpu.memory_space<hbm>>
        %dma_wait3A_77 = tpu.memref_squeeze %dma_wait3A_76 : memref<1x200xi32, #tpu.memory_space<hbm>> -> memref<200xi32, #tpu.memory_space<hbm>>
        %dma_wait3A_78 = tpu.memref_slice %arg3[%run_scoped3A_49, %add3A_48] : memref<1x320512xi32, #tpu.memory_space<hbm>> -> memref<1x200xi32, #tpu.memory_space<hbm>>
        %dma_wait3A_79 = tpu.memref_squeeze %dma_wait3A_78 : memref<1x200xi32, #tpu.memory_space<hbm>> -> memref<200xi32, #tpu.memory_space<hbm>>
        tpu.wait_dma2 semaphore(%run_scoped3A_71 : memref<!tpu.dma_semaphore, #tpu.memory_space<semaphore_mem>>) src(%dma_wait3A_79 : memref<200xi32, #tpu.memory_space<hbm>>) dst(%arg6 : memref<200xi32, #tpu.memory_space<vmem>>)
        tpu.yield
      }) : () -> ()
      %dma_start3A_50 = arith.constant 0 : i32
      %dma_start3A_51 = arith.constant 0 : i32
      %dma_start3A_52 = tpu.memref_slice %arg2[%dma_start3A_50, %dma_start3A_51] : memref<10000x128xf32, #tpu.memory_space<hbm>> -> memref<10000x128xf32, #tpu.memory_space<hbm>>
      tpu.enqueue_indirect_dma source(%dma_start3A_52 : memref<10000x128xf32, #tpu.memory_space<hbm>>) target(%arg8 : memref<200x128xf32, #tpu.memory_space<vmem>>) offsets(%arg6 : memref<200xi32, #tpu.memory_space<vmem>>) semaphore(%arg10 : memref<!tpu.dma_semaphore, #tpu.memory_space<semaphore_mem>>)
      %mul3A_53 = arith.constant 2 : i32
      %mul3A_54 = arith.muli %mul3A_53, %scan3A_27 : i32
      %add3A_55 = arith.constant 1 : i32
      %add3A_56 = arith.addi %mul3A_54, %add3A_55 : i32
      %dma_wait3A_57 = arith.constant 0 : i32
      %dma_wait3A_58 = arith.constant 0 : i32
      %dma_wait3A_59 = tpu.memref_slice %arg2[%dma_wait3A_57, %dma_wait3A_58] : memref<10000x128xf32, #tpu.memory_space<hbm>> -> memref<10000x128xf32, #tpu.memory_space<hbm>>
      tpu.wait_indirect_dma semaphore(%arg10 : memref<!tpu.dma_semaphore, #tpu.memory_space<semaphore_mem>>) src(%dma_wait3A_59 : memref<10000x128xf32, #tpu.memory_space<hbm>>) dst(%arg8 : memref<200x128xf32, #tpu.memory_space<vmem>>)
      %mul3A_60 = arith.constant 200 : i32
      %mul3A_61 = arith.muli %add3A_56, %mul3A_60 : i32
      %add3A_62 = arith.addi %mul3A_6, %mul3A_61 : i32
      %dma_start3A_63 = arith.constant 0 : i32
      %dma_start3A_64 = tpu.memref_slice %arg4[%add3A_62, %dma_start3A_63] : memref<76800x128xf32, #tpu.memory_space<hbm>> -> memref<200x128xf32, #tpu.memory_space<hbm>>
      %dma_start3A_65 = arith.constant 0 : i32
      %dma_start3A_66 = tpu.memref_slice %arg4[%add3A_62, %dma_start3A_65] : memref<76800x128xf32, #tpu.memory_space<hbm>> -> memref<200x128xf32, #tpu.memory_space<hbm>>
      tpu.enqueue_dma source(%arg8 : memref<200x128xf32, #tpu.memory_space<vmem>>) target(%dma_start3A_66 : memref<200x128xf32, #tpu.memory_space<hbm>>) target_semaphore(%arg12 : memref<!tpu.dma_semaphore, #tpu.memory_space<semaphore_mem>>)
      %lt3A = arith.constant 5 : i32
      %lt3A_67 = arith.cmpi slt, %scan3A_27, %lt3A : i32
      %convert_element_type3A_68 = arith.extui %lt3A_67 : i1 to i32
      %cond3A_69 = arith.constant 0 : i32
      %cond3A_70 = arith.cmpi ne, %convert_element_type3A_68, %cond3A_69 : i32
      scf.if %cond3A_70 {
        %dma_wait3A_71 = arith.constant 0 : i32
        %dma_wait3A_72 = arith.constant 0 : i32
        %dma_wait3A_73 = tpu.memref_slice %arg4[%dma_wait3A_71, %dma_wait3A_72] : memref<76800x128xf32, #tpu.memory_space<hbm>> -> memref<200x128xf32, #tpu.memory_space<hbm>>
        %dma_wait3A_74 = arith.constant 0 : i32
        %dma_wait3A_75 = arith.constant 0 : i32
        %dma_wait3A_76 = tpu.memref_slice %arg4[%dma_wait3A_74, %dma_wait3A_75] : memref<76800x128xf32, #tpu.memory_space<hbm>> -> memref<200x128xf32, #tpu.memory_space<hbm>>
        tpu.wait_dma2 semaphore(%arg11 : memref<!tpu.dma_semaphore, #tpu.memory_space<semaphore_mem>>) src(%arg7 : memref<200x128xf32, #tpu.memory_space<vmem>>) dst(%dma_wait3A_76 : memref<200x128xf32, #tpu.memory_space<hbm>>)
        %add3A_77 = arith.constant 1 : i32
        %add3A_78 = arith.addi %add3A_56, %add3A_77 : i32
        %mul3A_79 = arith.constant 200 : i32
        %mul3A_80 = arith.muli %add3A_78, %mul3A_79 : i32
        %add3A_81 = arith.addi %add3A_4, %mul3A_80 : i32
        %run_scoped3A_82 = arith.constant 0 : i32
        "tpu.region"() ({
          %run_scoped3A_86 = tpu.sem_alloc : memref<!tpu.dma_semaphore, #tpu.memory_space<semaphore_mem>>
          %dma_start3A_87 = tpu.memref_slice %arg3[%run_scoped3A_82, %add3A_81] : memref<1x320512xi32, #tpu.memory_space<hbm>> -> memref<1x200xi32, #tpu.memory_space<hbm>>
          %dma_start3A_88 = tpu.memref_squeeze %dma_start3A_87 : memref<1x200xi32, #tpu.memory_space<hbm>> -> memref<200xi32, #tpu.memory_space<hbm>>
          %dma_start3A_89 = tpu.memref_slice %arg3[%run_scoped3A_82, %add3A_81] : memref<1x320512xi32, #tpu.memory_space<hbm>> -> memref<1x200xi32, #tpu.memory_space<hbm>>
          %dma_start3A_90 = tpu.memref_squeeze %dma_start3A_89 : memref<1x200xi32, #tpu.memory_space<hbm>> -> memref<200xi32, #tpu.memory_space<hbm>>
          tpu.enqueue_dma source(%dma_start3A_90 : memref<200xi32, #tpu.memory_space<hbm>>) target(%arg5 : memref<200xi32, #tpu.memory_space<vmem>>) target_semaphore(%run_scoped3A_86 : memref<!tpu.dma_semaphore, #tpu.memory_space<semaphore_mem>>)
          %dma_wait3A_91 = tpu.memref_slice %arg3[%run_scoped3A_82, %add3A_81] : memref<1x320512xi32, #tpu.memory_space<hbm>> -> memref<1x200xi32, #tpu.memory_space<hbm>>
          %dma_wait3A_92 = tpu.memref_squeeze %dma_wait3A_91 : memref<1x200xi32, #tpu.memory_space<hbm>> -> memref<200xi32, #tpu.memory_space<hbm>>
          %dma_wait3A_93 = tpu.memref_slice %arg3[%run_scoped3A_82, %add3A_81] : memref<1x320512xi32, #tpu.memory_space<hbm>> -> memref<1x200xi32, #tpu.memory_space<hbm>>
          %dma_wait3A_94 = tpu.memref_squeeze %dma_wait3A_93 : memref<1x200xi32, #tpu.memory_space<hbm>> -> memref<200xi32, #tpu.memory_space<hbm>>
          tpu.wait_dma2 semaphore(%run_scoped3A_86 : memref<!tpu.dma_semaphore, #tpu.memory_space<semaphore_mem>>) src(%dma_wait3A_94 : memref<200xi32, #tpu.memory_space<hbm>>) dst(%arg5 : memref<200xi32, #tpu.memory_space<vmem>>)
          tpu.yield
        }) : () -> ()
        %dma_start3A_83 = arith.constant 0 : i32
        %dma_start3A_84 = arith.constant 0 : i32
        %dma_start3A_85 = tpu.memref_slice %arg2[%dma_start3A_83, %dma_start3A_84] : memref<10000x128xf32, #tpu.memory_space<hbm>> -> memref<10000x128xf32, #tpu.memory_space<hbm>>
        tpu.enqueue_indirect_dma source(%dma_start3A_85 : memref<10000x128xf32, #tpu.memory_space<hbm>>) target(%arg7 : memref<200x128xf32, #tpu.memory_space<vmem>>) offsets(%arg5 : memref<200xi32, #tpu.memory_space<vmem>>) semaphore(%arg9 : memref<!tpu.dma_semaphore, #tpu.memory_space<semaphore_mem>>)
      } else {
      }
    }
    %scan3A_15 = arith.constant 6 : i32
    %dma_wait3A = arith.constant 0 : i32
    %dma_wait3A_16 = arith.constant 0 : i32
    %dma_wait3A_17 = tpu.memref_slice %arg4[%dma_wait3A, %dma_wait3A_16] : memref<76800x128xf32, #tpu.memory_space<hbm>> -> memref<200x128xf32, #tpu.memory_space<hbm>>
    %dma_wait3A_18 = arith.constant 0 : i32
    %dma_wait3A_19 = arith.constant 0 : i32
    %dma_wait3A_20 = tpu.memref_slice %arg4[%dma_wait3A_18, %dma_wait3A_19] : memref<76800x128xf32, #tpu.memory_space<hbm>> -> memref<200x128xf32, #tpu.memory_space<hbm>>
    tpu.wait_dma2 semaphore(%arg11 : memref<!tpu.dma_semaphore, #tpu.memory_space<semaphore_mem>>) src(%arg7 : memref<200x128xf32, #tpu.memory_space<vmem>>) dst(%dma_wait3A_20 : memref<200x128xf32, #tpu.memory_space<hbm>>)
    %dma_wait3A_21 = arith.constant 0 : i32
    %dma_wait3A_22 = arith.constant 0 : i32
    %dma_wait3A_23 = tpu.memref_slice %arg4[%dma_wait3A_21, %dma_wait3A_22] : memref<76800x128xf32, #tpu.memory_space<hbm>> -> memref<200x128xf32, #tpu.memory_space<hbm>>
    %dma_wait3A_24 = arith.constant 0 : i32
    %dma_wait3A_25 = arith.constant 0 : i32
    %dma_wait3A_26 = tpu.memref_slice %arg4[%dma_wait3A_24, %dma_wait3A_25] : memref<76800x128xf32, #tpu.memory_space<hbm>> -> memref<200x128xf32, #tpu.memory_space<hbm>>
    tpu.wait_dma2 semaphore(%arg12 : memref<!tpu.dma_semaphore, #tpu.memory_space<semaphore_mem>>) src(%arg8 : memref<200x128xf32, #tpu.memory_space<vmem>>) dst(%dma_wait3A_26 : memref<200x128xf32, #tpu.memory_space<hbm>>)
    return
  }
}

#map = affine_map<(d0, d1) -> (0, 0)>
module attributes {stable_mosaic.version = 14 : i64} {
  func.func @_gather(%arg0: i32, %arg1: i32, %arg2: memref<10000x128xf32, #tpu.memory_space<hbm>>, %arg3: memref<1x320512xi32, #tpu.memory_space<hbm>>, %arg4: memref<102400x128xf32, #tpu.memory_space<hbm>>, %arg5: memref<320xi32, #tpu.memory_space<vmem>>, %arg6: memref<320xi32, #tpu.memory_space<vmem>>, %arg7: memref<320x128xf32, #tpu.memory_space<vmem>>, %arg8: memref<320x128xf32, #tpu.memory_space<vmem>>, %arg9: memref<!tpu.dma_semaphore, #tpu.memory_space<semaphore_mem>>, %arg10: memref<!tpu.dma_semaphore, #tpu.memory_space<semaphore_mem>>, %arg11: memref<!tpu.dma_semaphore, #tpu.memory_space<semaphore_mem>>, %arg12: memref<!tpu.dma_semaphore, #tpu.memory_space<semaphore_mem>>) attributes {dimension_semantics = [#tpu.dimension_semantics<core_parallel>, #tpu.dimension_semantics<subcore_parallel>], iteration_bounds = array<i64: 2, 16>, scalar_prefetch = 0 : i64, scratch_operands = 8 : i64, tpu.core_type = #tpu.core_type<sc_vector_subcore>, window_params = [{transform_indices = #map}, {transform_indices = #map}, {transform_indices = #map}]} {
    %mul3A = arith.constant 2 : i32
    %mul3A_0 = arith.muli %arg1, %mul3A : i32
    %add3A = arith.addi %mul3A_0, %arg0 : i32
    %mul3A_1 = arith.constant 3200 : i32
    %mul3A_2 = arith.muli %add3A, %mul3A_1 : i32
    %add3A_3 = arith.constant 76800 : i32
    %add3A_4 = arith.addi %add3A_3, %mul3A_2 : i32
    %mul3A_5 = arith.constant 3200 : i32
    %mul3A_6 = arith.muli %add3A, %mul3A_5 : i32
    %add3A_7 = arith.constant 0 : i32
    %add3A_8 = arith.addi %add3A_4, %add3A_7 : i32
    %run_scoped3A = arith.constant 0 : i32
    "tpu.region"() ({
      %run_scoped3A_27 = tpu.sem_alloc : memref<!tpu.dma_semaphore, #tpu.memory_space<semaphore_mem>>
      %dma_start3A_28 = tpu.memref_slice %arg3[%run_scoped3A, %add3A_8] : memref<1x320512xi32, #tpu.memory_space<hbm>> -> memref<1x320xi32, #tpu.memory_space<hbm>>
      %dma_start3A_29 = tpu.memref_squeeze %dma_start3A_28 : memref<1x320xi32, #tpu.memory_space<hbm>> -> memref<320xi32, #tpu.memory_space<hbm>>
      %dma_start3A_30 = tpu.memref_slice %arg3[%run_scoped3A, %add3A_8] : memref<1x320512xi32, #tpu.memory_space<hbm>> -> memref<1x320xi32, #tpu.memory_space<hbm>>
      %dma_start3A_31 = tpu.memref_squeeze %dma_start3A_30 : memref<1x320xi32, #tpu.memory_space<hbm>> -> memref<320xi32, #tpu.memory_space<hbm>>
      tpu.enqueue_dma source(%dma_start3A_31 : memref<320xi32, #tpu.memory_space<hbm>>) target(%arg5 : memref<320xi32, #tpu.memory_space<vmem>>) target_semaphore(%run_scoped3A_27 : memref<!tpu.dma_semaphore, #tpu.memory_space<semaphore_mem>>)
      %dma_wait3A_32 = tpu.memref_slice %arg3[%run_scoped3A, %add3A_8] : memref<1x320512xi32, #tpu.memory_space<hbm>> -> memref<1x320xi32, #tpu.memory_space<hbm>>
      %dma_wait3A_33 = tpu.memref_squeeze %dma_wait3A_32 : memref<1x320xi32, #tpu.memory_space<hbm>> -> memref<320xi32, #tpu.memory_space<hbm>>
      %dma_wait3A_34 = tpu.memref_slice %arg3[%run_scoped3A, %add3A_8] : memref<1x320512xi32, #tpu.memory_space<hbm>> -> memref<1x320xi32, #tpu.memory_space<hbm>>
      %dma_wait3A_35 = tpu.memref_squeeze %dma_wait3A_34 : memref<1x320xi32, #tpu.memory_space<hbm>> -> memref<320xi32, #tpu.memory_space<hbm>>
      tpu.wait_dma2 semaphore(%run_scoped3A_27 : memref<!tpu.dma_semaphore, #tpu.memory_space<semaphore_mem>>) src(%dma_wait3A_35 : memref<320xi32, #tpu.memory_space<hbm>>) dst(%arg5 : memref<320xi32, #tpu.memory_space<vmem>>)
      tpu.yield
    }) : () -> ()
    %dma_start3A = arith.constant 0 : i32
    %dma_start3A_9 = arith.constant 0 : i32
    %dma_start3A_10 = tpu.memref_slice %arg2[%dma_start3A, %dma_start3A_9] : memref<10000x128xf32, #tpu.memory_space<hbm>> -> memref<10000x128xf32, #tpu.memory_space<hbm>>
    tpu.enqueue_indirect_dma source(%dma_start3A_10 : memref<10000x128xf32, #tpu.memory_space<hbm>>) target(%arg7 : memref<320x128xf32, #tpu.memory_space<vmem>>) offsets(%arg5 : memref<320xi32, #tpu.memory_space<vmem>>) semaphore(%arg9 : memref<!tpu.dma_semaphore, #tpu.memory_space<semaphore_mem>>)
    %scan3A = arith.constant 0 : i32
    %scan3A_11 = arith.constant 0 : i32
    %scan3A_12 = arith.constant 5 : i32
    %scan3A_13 = arith.addi %scan3A_11, %scan3A_12 : i32
    %scan3A_14 = arith.constant 1 : i32
    scf.for %scan3A_27 = %scan3A_11 to %scan3A_13 step %scan3A_14  : i32 {
      %mul3A_28 = arith.constant 2 : i32
      %mul3A_29 = arith.muli %mul3A_28, %scan3A_27 : i32
      %add3A_30 = arith.constant 0 : i32
      %add3A_31 = arith.addi %mul3A_29, %add3A_30 : i32
      %dma_wait3A_32 = arith.constant 0 : i32
      %dma_wait3A_33 = arith.constant 0 : i32
      %dma_wait3A_34 = tpu.memref_slice %arg2[%dma_wait3A_32, %dma_wait3A_33] : memref<10000x128xf32, #tpu.memory_space<hbm>> -> memref<10000x128xf32, #tpu.memory_space<hbm>>
      tpu.wait_indirect_dma semaphore(%arg9 : memref<!tpu.dma_semaphore, #tpu.memory_space<semaphore_mem>>) src(%dma_wait3A_34 : memref<10000x128xf32, #tpu.memory_space<hbm>>) dst(%arg7 : memref<320x128xf32, #tpu.memory_space<vmem>>)
      %mul3A_35 = arith.constant 320 : i32
      %mul3A_36 = arith.muli %add3A_31, %mul3A_35 : i32
      %add3A_37 = arith.addi %mul3A_6, %mul3A_36 : i32
      %dma_start3A_38 = arith.constant 0 : i32
      %dma_start3A_39 = tpu.memref_slice %arg4[%add3A_37, %dma_start3A_38] : memref<102400x128xf32, #tpu.memory_space<hbm>> -> memref<320x128xf32, #tpu.memory_space<hbm>>
      %dma_start3A_40 = arith.constant 0 : i32
      %dma_start3A_41 = tpu.memref_slice %arg4[%add3A_37, %dma_start3A_40] : memref<102400x128xf32, #tpu.memory_space<hbm>> -> memref<320x128xf32, #tpu.memory_space<hbm>>
      tpu.enqueue_dma source(%arg7 : memref<320x128xf32, #tpu.memory_space<vmem>>) target(%dma_start3A_41 : memref<320x128xf32, #tpu.memory_space<hbm>>) target_semaphore(%arg11 : memref<!tpu.dma_semaphore, #tpu.memory_space<semaphore_mem>>)
      %ge3A = arith.constant 1 : i32
      %ge3A_42 = arith.cmpi sge, %scan3A_27, %ge3A : i32
      %convert_element_type3A = arith.extui %ge3A_42 : i1 to i32
      %cond3A = arith.constant 0 : i32
      %cond3A_43 = arith.cmpi ne, %convert_element_type3A, %cond3A : i32
      scf.if %cond3A_43 {
        %dma_wait3A_71 = arith.constant 0 : i32
        %dma_wait3A_72 = arith.constant 0 : i32
        %dma_wait3A_73 = tpu.memref_slice %arg4[%dma_wait3A_71, %dma_wait3A_72] : memref<102400x128xf32, #tpu.memory_space<hbm>> -> memref<320x128xf32, #tpu.memory_space<hbm>>
        %dma_wait3A_74 = arith.constant 0 : i32
        %dma_wait3A_75 = arith.constant 0 : i32
        %dma_wait3A_76 = tpu.memref_slice %arg4[%dma_wait3A_74, %dma_wait3A_75] : memref<102400x128xf32, #tpu.memory_space<hbm>> -> memref<320x128xf32, #tpu.memory_space<hbm>>
        tpu.wait_dma2 semaphore(%arg12 : memref<!tpu.dma_semaphore, #tpu.memory_space<semaphore_mem>>) src(%arg8 : memref<320x128xf32, #tpu.memory_space<vmem>>) dst(%dma_wait3A_76 : memref<320x128xf32, #tpu.memory_space<hbm>>)
      } else {
      }
      %add3A_44 = arith.constant 1 : i32
      %add3A_45 = arith.addi %add3A_31, %add3A_44 : i32
      %mul3A_46 = arith.constant 320 : i32
      %mul3A_47 = arith.muli %add3A_45, %mul3A_46 : i32
      %add3A_48 = arith.addi %add3A_4, %mul3A_47 : i32
      %run_scoped3A_49 = arith.constant 0 : i32
      "tpu.region"() ({
        %run_scoped3A_71 = tpu.sem_alloc : memref<!tpu.dma_semaphore, #tpu.memory_space<semaphore_mem>>
        %dma_start3A_72 = tpu.memref_slice %arg3[%run_scoped3A_49, %add3A_48] : memref<1x320512xi32, #tpu.memory_space<hbm>> -> memref<1x320xi32, #tpu.memory_space<hbm>>
        %dma_start3A_73 = tpu.memref_squeeze %dma_start3A_72 : memref<1x320xi32, #tpu.memory_space<hbm>> -> memref<320xi32, #tpu.memory_space<hbm>>
        %dma_start3A_74 = tpu.memref_slice %arg3[%run_scoped3A_49, %add3A_48] : memref<1x320512xi32, #tpu.memory_space<hbm>> -> memref<1x320xi32, #tpu.memory_space<hbm>>
        %dma_start3A_75 = tpu.memref_squeeze %dma_start3A_74 : memref<1x320xi32, #tpu.memory_space<hbm>> -> memref<320xi32, #tpu.memory_space<hbm>>
        tpu.enqueue_dma source(%dma_start3A_75 : memref<320xi32, #tpu.memory_space<hbm>>) target(%arg6 : memref<320xi32, #tpu.memory_space<vmem>>) target_semaphore(%run_scoped3A_71 : memref<!tpu.dma_semaphore, #tpu.memory_space<semaphore_mem>>)
        %dma_wait3A_76 = tpu.memref_slice %arg3[%run_scoped3A_49, %add3A_48] : memref<1x320512xi32, #tpu.memory_space<hbm>> -> memref<1x320xi32, #tpu.memory_space<hbm>>
        %dma_wait3A_77 = tpu.memref_squeeze %dma_wait3A_76 : memref<1x320xi32, #tpu.memory_space<hbm>> -> memref<320xi32, #tpu.memory_space<hbm>>
        %dma_wait3A_78 = tpu.memref_slice %arg3[%run_scoped3A_49, %add3A_48] : memref<1x320512xi32, #tpu.memory_space<hbm>> -> memref<1x320xi32, #tpu.memory_space<hbm>>
        %dma_wait3A_79 = tpu.memref_squeeze %dma_wait3A_78 : memref<1x320xi32, #tpu.memory_space<hbm>> -> memref<320xi32, #tpu.memory_space<hbm>>
        tpu.wait_dma2 semaphore(%run_scoped3A_71 : memref<!tpu.dma_semaphore, #tpu.memory_space<semaphore_mem>>) src(%dma_wait3A_79 : memref<320xi32, #tpu.memory_space<hbm>>) dst(%arg6 : memref<320xi32, #tpu.memory_space<vmem>>)
        tpu.yield
      }) : () -> ()
      %dma_start3A_50 = arith.constant 0 : i32
      %dma_start3A_51 = arith.constant 0 : i32
      %dma_start3A_52 = tpu.memref_slice %arg2[%dma_start3A_50, %dma_start3A_51] : memref<10000x128xf32, #tpu.memory_space<hbm>> -> memref<10000x128xf32, #tpu.memory_space<hbm>>
      tpu.enqueue_indirect_dma source(%dma_start3A_52 : memref<10000x128xf32, #tpu.memory_space<hbm>>) target(%arg8 : memref<320x128xf32, #tpu.memory_space<vmem>>) offsets(%arg6 : memref<320xi32, #tpu.memory_space<vmem>>) semaphore(%arg10 : memref<!tpu.dma_semaphore, #tpu.memory_space<semaphore_mem>>)
      %mul3A_53 = arith.constant 2 : i32
      %mul3A_54 = arith.muli %mul3A_53, %scan3A_27 : i32
      %add3A_55 = arith.constant 1 : i32
      %add3A_56 = arith.addi %mul3A_54, %add3A_55 : i32
      %dma_wait3A_57 = arith.constant 0 : i32
      %dma_wait3A_58 = arith.constant 0 : i32
      %dma_wait3A_59 = tpu.memref_slice %arg2[%dma_wait3A_57, %dma_wait3A_58] : memref<10000x128xf32, #tpu.memory_space<hbm>> -> memref<10000x128xf32, #tpu.memory_space<hbm>>
      tpu.wait_indirect_dma semaphore(%arg10 : memref<!tpu.dma_semaphore, #tpu.memory_space<semaphore_mem>>) src(%dma_wait3A_59 : memref<10000x128xf32, #tpu.memory_space<hbm>>) dst(%arg8 : memref<320x128xf32, #tpu.memory_space<vmem>>)
      %mul3A_60 = arith.constant 320 : i32
      %mul3A_61 = arith.muli %add3A_56, %mul3A_60 : i32
      %add3A_62 = arith.addi %mul3A_6, %mul3A_61 : i32
      %dma_start3A_63 = arith.constant 0 : i32
      %dma_start3A_64 = tpu.memref_slice %arg4[%add3A_62, %dma_start3A_63] : memref<102400x128xf32, #tpu.memory_space<hbm>> -> memref<320x128xf32, #tpu.memory_space<hbm>>
      %dma_start3A_65 = arith.constant 0 : i32
      %dma_start3A_66 = tpu.memref_slice %arg4[%add3A_62, %dma_start3A_65] : memref<102400x128xf32, #tpu.memory_space<hbm>> -> memref<320x128xf32, #tpu.memory_space<hbm>>
      tpu.enqueue_dma source(%arg8 : memref<320x128xf32, #tpu.memory_space<vmem>>) target(%dma_start3A_66 : memref<320x128xf32, #tpu.memory_space<hbm>>) target_semaphore(%arg12 : memref<!tpu.dma_semaphore, #tpu.memory_space<semaphore_mem>>)
      %lt3A = arith.constant 4 : i32
      %lt3A_67 = arith.cmpi slt, %scan3A_27, %lt3A : i32
      %convert_element_type3A_68 = arith.extui %lt3A_67 : i1 to i32
      %cond3A_69 = arith.constant 0 : i32
      %cond3A_70 = arith.cmpi ne, %convert_element_type3A_68, %cond3A_69 : i32
      scf.if %cond3A_70 {
        %dma_wait3A_71 = arith.constant 0 : i32
        %dma_wait3A_72 = arith.constant 0 : i32
        %dma_wait3A_73 = tpu.memref_slice %arg4[%dma_wait3A_71, %dma_wait3A_72] : memref<102400x128xf32, #tpu.memory_space<hbm>> -> memref<320x128xf32, #tpu.memory_space<hbm>>
        %dma_wait3A_74 = arith.constant 0 : i32
        %dma_wait3A_75 = arith.constant 0 : i32
        %dma_wait3A_76 = tpu.memref_slice %arg4[%dma_wait3A_74, %dma_wait3A_75] : memref<102400x128xf32, #tpu.memory_space<hbm>> -> memref<320x128xf32, #tpu.memory_space<hbm>>
        tpu.wait_dma2 semaphore(%arg11 : memref<!tpu.dma_semaphore, #tpu.memory_space<semaphore_mem>>) src(%arg7 : memref<320x128xf32, #tpu.memory_space<vmem>>) dst(%dma_wait3A_76 : memref<320x128xf32, #tpu.memory_space<hbm>>)
        %add3A_77 = arith.constant 1 : i32
        %add3A_78 = arith.addi %add3A_56, %add3A_77 : i32
        %mul3A_79 = arith.constant 320 : i32
        %mul3A_80 = arith.muli %add3A_78, %mul3A_79 : i32
        %add3A_81 = arith.addi %add3A_4, %mul3A_80 : i32
        %run_scoped3A_82 = arith.constant 0 : i32
        "tpu.region"() ({
          %run_scoped3A_86 = tpu.sem_alloc : memref<!tpu.dma_semaphore, #tpu.memory_space<semaphore_mem>>
          %dma_start3A_87 = tpu.memref_slice %arg3[%run_scoped3A_82, %add3A_81] : memref<1x320512xi32, #tpu.memory_space<hbm>> -> memref<1x320xi32, #tpu.memory_space<hbm>>
          %dma_start3A_88 = tpu.memref_squeeze %dma_start3A_87 : memref<1x320xi32, #tpu.memory_space<hbm>> -> memref<320xi32, #tpu.memory_space<hbm>>
          %dma_start3A_89 = tpu.memref_slice %arg3[%run_scoped3A_82, %add3A_81] : memref<1x320512xi32, #tpu.memory_space<hbm>> -> memref<1x320xi32, #tpu.memory_space<hbm>>
          %dma_start3A_90 = tpu.memref_squeeze %dma_start3A_89 : memref<1x320xi32, #tpu.memory_space<hbm>> -> memref<320xi32, #tpu.memory_space<hbm>>
          tpu.enqueue_dma source(%dma_start3A_90 : memref<320xi32, #tpu.memory_space<hbm>>) target(%arg5 : memref<320xi32, #tpu.memory_space<vmem>>) target_semaphore(%run_scoped3A_86 : memref<!tpu.dma_semaphore, #tpu.memory_space<semaphore_mem>>)
          %dma_wait3A_91 = tpu.memref_slice %arg3[%run_scoped3A_82, %add3A_81] : memref<1x320512xi32, #tpu.memory_space<hbm>> -> memref<1x320xi32, #tpu.memory_space<hbm>>
          %dma_wait3A_92 = tpu.memref_squeeze %dma_wait3A_91 : memref<1x320xi32, #tpu.memory_space<hbm>> -> memref<320xi32, #tpu.memory_space<hbm>>
          %dma_wait3A_93 = tpu.memref_slice %arg3[%run_scoped3A_82, %add3A_81] : memref<1x320512xi32, #tpu.memory_space<hbm>> -> memref<1x320xi32, #tpu.memory_space<hbm>>
          %dma_wait3A_94 = tpu.memref_squeeze %dma_wait3A_93 : memref<1x320xi32, #tpu.memory_space<hbm>> -> memref<320xi32, #tpu.memory_space<hbm>>
          tpu.wait_dma2 semaphore(%run_scoped3A_86 : memref<!tpu.dma_semaphore, #tpu.memory_space<semaphore_mem>>) src(%dma_wait3A_94 : memref<320xi32, #tpu.memory_space<hbm>>) dst(%arg5 : memref<320xi32, #tpu.memory_space<vmem>>)
          tpu.yield
        }) : () -> ()
        %dma_start3A_83 = arith.constant 0 : i32
        %dma_start3A_84 = arith.constant 0 : i32
        %dma_start3A_85 = tpu.memref_slice %arg2[%dma_start3A_83, %dma_start3A_84] : memref<10000x128xf32, #tpu.memory_space<hbm>> -> memref<10000x128xf32, #tpu.memory_space<hbm>>
        tpu.enqueue_indirect_dma source(%dma_start3A_85 : memref<10000x128xf32, #tpu.memory_space<hbm>>) target(%arg7 : memref<320x128xf32, #tpu.memory_space<vmem>>) offsets(%arg5 : memref<320xi32, #tpu.memory_space<vmem>>) semaphore(%arg9 : memref<!tpu.dma_semaphore, #tpu.memory_space<semaphore_mem>>)
      } else {
      }
    }
    %scan3A_15 = arith.constant 5 : i32
    %dma_wait3A = arith.constant 0 : i32
    %dma_wait3A_16 = arith.constant 0 : i32
    %dma_wait3A_17 = tpu.memref_slice %arg4[%dma_wait3A, %dma_wait3A_16] : memref<102400x128xf32, #tpu.memory_space<hbm>> -> memref<320x128xf32, #tpu.memory_space<hbm>>
    %dma_wait3A_18 = arith.constant 0 : i32
    %dma_wait3A_19 = arith.constant 0 : i32
    %dma_wait3A_20 = tpu.memref_slice %arg4[%dma_wait3A_18, %dma_wait3A_19] : memref<102400x128xf32, #tpu.memory_space<hbm>> -> memref<320x128xf32, #tpu.memory_space<hbm>>
    tpu.wait_dma2 semaphore(%arg11 : memref<!tpu.dma_semaphore, #tpu.memory_space<semaphore_mem>>) src(%arg7 : memref<320x128xf32, #tpu.memory_space<vmem>>) dst(%dma_wait3A_20 : memref<320x128xf32, #tpu.memory_space<hbm>>)
    %dma_wait3A_21 = arith.constant 0 : i32
    %dma_wait3A_22 = arith.constant 0 : i32
    %dma_wait3A_23 = tpu.memref_slice %arg4[%dma_wait3A_21, %dma_wait3A_22] : memref<102400x128xf32, #tpu.memory_space<hbm>> -> memref<320x128xf32, #tpu.memory_space<hbm>>
    %dma_wait3A_24 = arith.constant 0 : i32
    %dma_wait3A_25 = arith.constant 0 : i32
    %dma_wait3A_26 = tpu.memref_slice %arg4[%dma_wait3A_24, %dma_wait3A_25] : memref<102400x128xf32, #tpu.memory_space<hbm>> -> memref<320x128xf32, #tpu.memory_space<hbm>>
    tpu.wait_dma2 semaphore(%arg12 : memref<!tpu.dma_semaphore, #tpu.memory_space<semaphore_mem>>) src(%arg8 : memref<320x128xf32, #tpu.memory_space<vmem>>) dst(%dma_wait3A_26 : memref<320x128xf32, #tpu.memory_space<hbm>>)
    return
  }
}

#map = affine_map<(d0, d1) -> (0, 0)>
module attributes {stable_mosaic.version = 14 : i64} {
  func.func @_gather(%arg0: i32, %arg1: i32, %arg2: memref<10000x128xf32, #tpu.memory_space<hbm>>, %arg3: memref<1x320512xi32, #tpu.memory_space<hbm>>, %arg4: memref<140800x128xf32, #tpu.memory_space<hbm>>, %arg5: memref<400xi32, #tpu.memory_space<vmem>>, %arg6: memref<400xi32, #tpu.memory_space<vmem>>, %arg7: memref<400x128xf32, #tpu.memory_space<vmem>>, %arg8: memref<400x128xf32, #tpu.memory_space<vmem>>, %arg9: memref<!tpu.dma_semaphore, #tpu.memory_space<semaphore_mem>>, %arg10: memref<!tpu.dma_semaphore, #tpu.memory_space<semaphore_mem>>, %arg11: memref<!tpu.dma_semaphore, #tpu.memory_space<semaphore_mem>>, %arg12: memref<!tpu.dma_semaphore, #tpu.memory_space<semaphore_mem>>) attributes {dimension_semantics = [#tpu.dimension_semantics<core_parallel>, #tpu.dimension_semantics<subcore_parallel>], iteration_bounds = array<i64: 2, 16>, scalar_prefetch = 0 : i64, scratch_operands = 8 : i64, tpu.core_type = #tpu.core_type<sc_vector_subcore>, window_params = [{transform_indices = #map}, {transform_indices = #map}, {transform_indices = #map}]} {
    %mul3A = arith.constant 2 : i32
    %mul3A_0 = arith.muli %arg1, %mul3A : i32
    %add3A = arith.addi %mul3A_0, %arg0 : i32
    %mul3A_1 = arith.constant 4400 : i32
    %mul3A_2 = arith.muli %add3A, %mul3A_1 : i32
    %add3A_3 = arith.constant 179200 : i32
    %add3A_4 = arith.addi %add3A_3, %mul3A_2 : i32
    %mul3A_5 = arith.constant 4400 : i32
    %mul3A_6 = arith.muli %add3A, %mul3A_5 : i32
    %add3A_7 = arith.constant 0 : i32
    %add3A_8 = arith.addi %add3A_4, %add3A_7 : i32
    %run_scoped3A = arith.constant 0 : i32
    "tpu.region"() ({
      %run_scoped3A_36 = tpu.sem_alloc : memref<!tpu.dma_semaphore, #tpu.memory_space<semaphore_mem>>
      %dma_start3A_37 = tpu.memref_slice %arg3[%run_scoped3A, %add3A_8] : memref<1x320512xi32, #tpu.memory_space<hbm>> -> memref<1x400xi32, #tpu.memory_space<hbm>>
      %dma_start3A_38 = tpu.memref_squeeze %dma_start3A_37 : memref<1x400xi32, #tpu.memory_space<hbm>> -> memref<400xi32, #tpu.memory_space<hbm>>
      %dma_start3A_39 = tpu.memref_slice %arg3[%run_scoped3A, %add3A_8] : memref<1x320512xi32, #tpu.memory_space<hbm>> -> memref<1x400xi32, #tpu.memory_space<hbm>>
      %dma_start3A_40 = tpu.memref_squeeze %dma_start3A_39 : memref<1x400xi32, #tpu.memory_space<hbm>> -> memref<400xi32, #tpu.memory_space<hbm>>
      tpu.enqueue_dma source(%dma_start3A_40 : memref<400xi32, #tpu.memory_space<hbm>>) target(%arg5 : memref<400xi32, #tpu.memory_space<vmem>>) target_semaphore(%run_scoped3A_36 : memref<!tpu.dma_semaphore, #tpu.memory_space<semaphore_mem>>)
      %dma_wait3A_41 = tpu.memref_slice %arg3[%run_scoped3A, %add3A_8] : memref<1x320512xi32, #tpu.memory_space<hbm>> -> memref<1x400xi32, #tpu.memory_space<hbm>>
      %dma_wait3A_42 = tpu.memref_squeeze %dma_wait3A_41 : memref<1x400xi32, #tpu.memory_space<hbm>> -> memref<400xi32, #tpu.memory_space<hbm>>
      %dma_wait3A_43 = tpu.memref_slice %arg3[%run_scoped3A, %add3A_8] : memref<1x320512xi32, #tpu.memory_space<hbm>> -> memref<1x400xi32, #tpu.memory_space<hbm>>
      %dma_wait3A_44 = tpu.memref_squeeze %dma_wait3A_43 : memref<1x400xi32, #tpu.memory_space<hbm>> -> memref<400xi32, #tpu.memory_space<hbm>>
      tpu.wait_dma2 semaphore(%run_scoped3A_36 : memref<!tpu.dma_semaphore, #tpu.memory_space<semaphore_mem>>) src(%dma_wait3A_44 : memref<400xi32, #tpu.memory_space<hbm>>) dst(%arg5 : memref<400xi32, #tpu.memory_space<vmem>>)
      tpu.yield
    }) : () -> ()
    %dma_start3A = arith.constant 0 : i32
    %dma_start3A_9 = arith.constant 0 : i32
    %dma_start3A_10 = tpu.memref_slice %arg2[%dma_start3A, %dma_start3A_9] : memref<10000x128xf32, #tpu.memory_space<hbm>> -> memref<10000x128xf32, #tpu.memory_space<hbm>>
    tpu.enqueue_indirect_dma source(%dma_start3A_10 : memref<10000x128xf32, #tpu.memory_space<hbm>>) target(%arg7 : memref<400x128xf32, #tpu.memory_space<vmem>>) offsets(%arg5 : memref<400xi32, #tpu.memory_space<vmem>>) semaphore(%arg9 : memref<!tpu.dma_semaphore, #tpu.memory_space<semaphore_mem>>)
    %scan3A = arith.constant 0 : i32
    %scan3A_11 = arith.constant 0 : i32
    %scan3A_12 = arith.constant 5 : i32
    %scan3A_13 = arith.addi %scan3A_11, %scan3A_12 : i32
    %scan3A_14 = arith.constant 1 : i32
    scf.for %scan3A_36 = %scan3A_11 to %scan3A_13 step %scan3A_14  : i32 {
      %mul3A_37 = arith.constant 2 : i32
      %mul3A_38 = arith.muli %mul3A_37, %scan3A_36 : i32
      %add3A_39 = arith.constant 0 : i32
      %add3A_40 = arith.addi %mul3A_38, %add3A_39 : i32
      %dma_wait3A_41 = arith.constant 0 : i32
      %dma_wait3A_42 = arith.constant 0 : i32
      %dma_wait3A_43 = tpu.memref_slice %arg2[%dma_wait3A_41, %dma_wait3A_42] : memref<10000x128xf32, #tpu.memory_space<hbm>> -> memref<10000x128xf32, #tpu.memory_space<hbm>>
      tpu.wait_indirect_dma semaphore(%arg9 : memref<!tpu.dma_semaphore, #tpu.memory_space<semaphore_mem>>) src(%dma_wait3A_43 : memref<10000x128xf32, #tpu.memory_space<hbm>>) dst(%arg7 : memref<400x128xf32, #tpu.memory_space<vmem>>)
      %mul3A_44 = arith.constant 400 : i32
      %mul3A_45 = arith.muli %add3A_40, %mul3A_44 : i32
      %add3A_46 = arith.addi %mul3A_6, %mul3A_45 : i32
      %dma_start3A_47 = arith.constant 0 : i32
      %dma_start3A_48 = tpu.memref_slice %arg4[%add3A_46, %dma_start3A_47] : memref<140800x128xf32, #tpu.memory_space<hbm>> -> memref<400x128xf32, #tpu.memory_space<hbm>>
      %dma_start3A_49 = arith.constant 0 : i32
      %dma_start3A_50 = tpu.memref_slice %arg4[%add3A_46, %dma_start3A_49] : memref<140800x128xf32, #tpu.memory_space<hbm>> -> memref<400x128xf32, #tpu.memory_space<hbm>>
      tpu.enqueue_dma source(%arg7 : memref<400x128xf32, #tpu.memory_space<vmem>>) target(%dma_start3A_50 : memref<400x128xf32, #tpu.memory_space<hbm>>) target_semaphore(%arg11 : memref<!tpu.dma_semaphore, #tpu.memory_space<semaphore_mem>>)
      %ge3A = arith.constant 1 : i32
      %ge3A_51 = arith.cmpi sge, %scan3A_36, %ge3A : i32
      %convert_element_type3A = arith.extui %ge3A_51 : i1 to i32
      %cond3A = arith.constant 0 : i32
      %cond3A_52 = arith.cmpi ne, %convert_element_type3A, %cond3A : i32
      scf.if %cond3A_52 {
        %dma_wait3A_91 = arith.constant 0 : i32
        %dma_wait3A_92 = arith.constant 0 : i32
        %dma_wait3A_93 = tpu.memref_slice %arg4[%dma_wait3A_91, %dma_wait3A_92] : memref<140800x128xf32, #tpu.memory_space<hbm>> -> memref<400x128xf32, #tpu.memory_space<hbm>>
        %dma_wait3A_94 = arith.constant 0 : i32
        %dma_wait3A_95 = arith.constant 0 : i32
        %dma_wait3A_96 = tpu.memref_slice %arg4[%dma_wait3A_94, %dma_wait3A_95] : memref<140800x128xf32, #tpu.memory_space<hbm>> -> memref<400x128xf32, #tpu.memory_space<hbm>>
        tpu.wait_dma2 semaphore(%arg12 : memref<!tpu.dma_semaphore, #tpu.memory_space<semaphore_mem>>) src(%arg8 : memref<400x128xf32, #tpu.memory_space<vmem>>) dst(%dma_wait3A_96 : memref<400x128xf32, #tpu.memory_space<hbm>>)
      } else {
      }
      %add3A_53 = arith.constant 1 : i32
      %add3A_54 = arith.addi %add3A_40, %add3A_53 : i32
      %mul3A_55 = arith.constant 400 : i32
      %mul3A_56 = arith.muli %add3A_54, %mul3A_55 : i32
      %add3A_57 = arith.addi %add3A_4, %mul3A_56 : i32
      %run_scoped3A_58 = arith.constant 0 : i32
      "tpu.region"() ({
        %run_scoped3A_91 = tpu.sem_alloc : memref<!tpu.dma_semaphore, #tpu.memory_space<semaphore_mem>>
        %dma_start3A_92 = tpu.memref_slice %arg3[%run_scoped3A_58, %add3A_57] : memref<1x320512xi32, #tpu.memory_space<hbm>> -> memref<1x400xi32, #tpu.memory_space<hbm>>
        %dma_start3A_93 = tpu.memref_squeeze %dma_start3A_92 : memref<1x400xi32, #tpu.memory_space<hbm>> -> memref<400xi32, #tpu.memory_space<hbm>>
        %dma_start3A_94 = tpu.memref_slice %arg3[%run_scoped3A_58, %add3A_57] : memref<1x320512xi32, #tpu.memory_space<hbm>> -> memref<1x400xi32, #tpu.memory_space<hbm>>
        %dma_start3A_95 = tpu.memref_squeeze %dma_start3A_94 : memref<1x400xi32, #tpu.memory_space<hbm>> -> memref<400xi32, #tpu.memory_space<hbm>>
        tpu.enqueue_dma source(%dma_start3A_95 : memref<400xi32, #tpu.memory_space<hbm>>) target(%arg6 : memref<400xi32, #tpu.memory_space<vmem>>) target_semaphore(%run_scoped3A_91 : memref<!tpu.dma_semaphore, #tpu.memory_space<semaphore_mem>>)
        %dma_wait3A_96 = tpu.memref_slice %arg3[%run_scoped3A_58, %add3A_57] : memref<1x320512xi32, #tpu.memory_space<hbm>> -> memref<1x400xi32, #tpu.memory_space<hbm>>
        %dma_wait3A_97 = tpu.memref_squeeze %dma_wait3A_96 : memref<1x400xi32, #tpu.memory_space<hbm>> -> memref<400xi32, #tpu.memory_space<hbm>>
        %dma_wait3A_98 = tpu.memref_slice %arg3[%run_scoped3A_58, %add3A_57] : memref<1x320512xi32, #tpu.memory_space<hbm>> -> memref<1x400xi32, #tpu.memory_space<hbm>>
        %dma_wait3A_99 = tpu.memref_squeeze %dma_wait3A_98 : memref<1x400xi32, #tpu.memory_space<hbm>> -> memref<400xi32, #tpu.memory_space<hbm>>
        tpu.wait_dma2 semaphore(%run_scoped3A_91 : memref<!tpu.dma_semaphore, #tpu.memory_space<semaphore_mem>>) src(%dma_wait3A_99 : memref<400xi32, #tpu.memory_space<hbm>>) dst(%arg6 : memref<400xi32, #tpu.memory_space<vmem>>)
        tpu.yield
      }) : () -> ()
      %dma_start3A_59 = arith.constant 0 : i32
      %dma_start3A_60 = arith.constant 0 : i32
      %dma_start3A_61 = tpu.memref_slice %arg2[%dma_start3A_59, %dma_start3A_60] : memref<10000x128xf32, #tpu.memory_space<hbm>> -> memref<10000x128xf32, #tpu.memory_space<hbm>>
      tpu.enqueue_indirect_dma source(%dma_start3A_61 : memref<10000x128xf32, #tpu.memory_space<hbm>>) target(%arg8 : memref<400x128xf32, #tpu.memory_space<vmem>>) offsets(%arg6 : memref<400xi32, #tpu.memory_space<vmem>>) semaphore(%arg10 : memref<!tpu.dma_semaphore, #tpu.memory_space<semaphore_mem>>)
      %mul3A_62 = arith.constant 2 : i32
      %mul3A_63 = arith.muli %mul3A_62, %scan3A_36 : i32
      %add3A_64 = arith.constant 1 : i32
      %add3A_65 = arith.addi %mul3A_63, %add3A_64 : i32
      %dma_wait3A_66 = arith.constant 0 : i32
      %dma_wait3A_67 = arith.constant 0 : i32
      %dma_wait3A_68 = tpu.memref_slice %arg2[%dma_wait3A_66, %dma_wait3A_67] : memref<10000x128xf32, #tpu.memory_space<hbm>> -> memref<10000x128xf32, #tpu.memory_space<hbm>>
      tpu.wait_indirect_dma semaphore(%arg10 : memref<!tpu.dma_semaphore, #tpu.memory_space<semaphore_mem>>) src(%dma_wait3A_68 : memref<10000x128xf32, #tpu.memory_space<hbm>>) dst(%arg8 : memref<400x128xf32, #tpu.memory_space<vmem>>)
      %mul3A_69 = arith.constant 400 : i32
      %mul3A_70 = arith.muli %add3A_65, %mul3A_69 : i32
      %add3A_71 = arith.addi %mul3A_6, %mul3A_70 : i32
      %dma_start3A_72 = arith.constant 0 : i32
      %dma_start3A_73 = tpu.memref_slice %arg4[%add3A_71, %dma_start3A_72] : memref<140800x128xf32, #tpu.memory_space<hbm>> -> memref<400x128xf32, #tpu.memory_space<hbm>>
      %dma_start3A_74 = arith.constant 0 : i32
      %dma_start3A_75 = tpu.memref_slice %arg4[%add3A_71, %dma_start3A_74] : memref<140800x128xf32, #tpu.memory_space<hbm>> -> memref<400x128xf32, #tpu.memory_space<hbm>>
      tpu.enqueue_dma source(%arg8 : memref<400x128xf32, #tpu.memory_space<vmem>>) target(%dma_start3A_75 : memref<400x128xf32, #tpu.memory_space<hbm>>) target_semaphore(%arg12 : memref<!tpu.dma_semaphore, #tpu.memory_space<semaphore_mem>>)
      %dma_wait3A_76 = arith.constant 0 : i32
      %dma_wait3A_77 = arith.constant 0 : i32
      %dma_wait3A_78 = tpu.memref_slice %arg4[%dma_wait3A_76, %dma_wait3A_77] : memref<140800x128xf32, #tpu.memory_space<hbm>> -> memref<400x128xf32, #tpu.memory_space<hbm>>
      %dma_wait3A_79 = arith.constant 0 : i32
      %dma_wait3A_80 = arith.constant 0 : i32
      %dma_wait3A_81 = tpu.memref_slice %arg4[%dma_wait3A_79, %dma_wait3A_80] : memref<140800x128xf32, #tpu.memory_space<hbm>> -> memref<400x128xf32, #tpu.memory_space<hbm>>
      tpu.wait_dma2 semaphore(%arg11 : memref<!tpu.dma_semaphore, #tpu.memory_space<semaphore_mem>>) src(%arg7 : memref<400x128xf32, #tpu.memory_space<vmem>>) dst(%dma_wait3A_81 : memref<400x128xf32, #tpu.memory_space<hbm>>)
      %add3A_82 = arith.constant 1 : i32
      %add3A_83 = arith.addi %add3A_65, %add3A_82 : i32
      %mul3A_84 = arith.constant 400 : i32
      %mul3A_85 = arith.muli %add3A_83, %mul3A_84 : i32
      %add3A_86 = arith.addi %add3A_4, %mul3A_85 : i32
      %run_scoped3A_87 = arith.constant 0 : i32
      "tpu.region"() ({
        %run_scoped3A_91 = tpu.sem_alloc : memref<!tpu.dma_semaphore, #tpu.memory_space<semaphore_mem>>
        %dma_start3A_92 = tpu.memref_slice %arg3[%run_scoped3A_87, %add3A_86] : memref<1x320512xi32, #tpu.memory_space<hbm>> -> memref<1x400xi32, #tpu.memory_space<hbm>>
        %dma_start3A_93 = tpu.memref_squeeze %dma_start3A_92 : memref<1x400xi32, #tpu.memory_space<hbm>> -> memref<400xi32, #tpu.memory_space<hbm>>
        %dma_start3A_94 = tpu.memref_slice %arg3[%run_scoped3A_87, %add3A_86] : memref<1x320512xi32, #tpu.memory_space<hbm>> -> memref<1x400xi32, #tpu.memory_space<hbm>>
        %dma_start3A_95 = tpu.memref_squeeze %dma_start3A_94 : memref<1x400xi32, #tpu.memory_space<hbm>> -> memref<400xi32, #tpu.memory_space<hbm>>
        tpu.enqueue_dma source(%dma_start3A_95 : memref<400xi32, #tpu.memory_space<hbm>>) target(%arg5 : memref<400xi32, #tpu.memory_space<vmem>>) target_semaphore(%run_scoped3A_91 : memref<!tpu.dma_semaphore, #tpu.memory_space<semaphore_mem>>)
        %dma_wait3A_96 = tpu.memref_slice %arg3[%run_scoped3A_87, %add3A_86] : memref<1x320512xi32, #tpu.memory_space<hbm>> -> memref<1x400xi32, #tpu.memory_space<hbm>>
        %dma_wait3A_97 = tpu.memref_squeeze %dma_wait3A_96 : memref<1x400xi32, #tpu.memory_space<hbm>> -> memref<400xi32, #tpu.memory_space<hbm>>
        %dma_wait3A_98 = tpu.memref_slice %arg3[%run_scoped3A_87, %add3A_86] : memref<1x320512xi32, #tpu.memory_space<hbm>> -> memref<1x400xi32, #tpu.memory_space<hbm>>
        %dma_wait3A_99 = tpu.memref_squeeze %dma_wait3A_98 : memref<1x400xi32, #tpu.memory_space<hbm>> -> memref<400xi32, #tpu.memory_space<hbm>>
        tpu.wait_dma2 semaphore(%run_scoped3A_91 : memref<!tpu.dma_semaphore, #tpu.memory_space<semaphore_mem>>) src(%dma_wait3A_99 : memref<400xi32, #tpu.memory_space<hbm>>) dst(%arg5 : memref<400xi32, #tpu.memory_space<vmem>>)
        tpu.yield
      }) : () -> ()
      %dma_start3A_88 = arith.constant 0 : i32
      %dma_start3A_89 = arith.constant 0 : i32
      %dma_start3A_90 = tpu.memref_slice %arg2[%dma_start3A_88, %dma_start3A_89] : memref<10000x128xf32, #tpu.memory_space<hbm>> -> memref<10000x128xf32, #tpu.memory_space<hbm>>
      tpu.enqueue_indirect_dma source(%dma_start3A_90 : memref<10000x128xf32, #tpu.memory_space<hbm>>) target(%arg7 : memref<400x128xf32, #tpu.memory_space<vmem>>) offsets(%arg5 : memref<400xi32, #tpu.memory_space<vmem>>) semaphore(%arg9 : memref<!tpu.dma_semaphore, #tpu.memory_space<semaphore_mem>>)
    }
    %scan3A_15 = arith.constant 5 : i32
    %dma_wait3A = arith.constant 0 : i32
    %dma_wait3A_16 = arith.constant 0 : i32
    %dma_wait3A_17 = tpu.memref_slice %arg2[%dma_wait3A, %dma_wait3A_16] : memref<10000x128xf32, #tpu.memory_space<hbm>> -> memref<10000x128xf32, #tpu.memory_space<hbm>>
    tpu.wait_indirect_dma semaphore(%arg9 : memref<!tpu.dma_semaphore, #tpu.memory_space<semaphore_mem>>) src(%dma_wait3A_17 : memref<10000x128xf32, #tpu.memory_space<hbm>>) dst(%arg7 : memref<400x128xf32, #tpu.memory_space<vmem>>)
    %add3A_18 = arith.constant 4000 : i32
    %add3A_19 = arith.addi %mul3A_6, %add3A_18 : i32
    %dma_start3A_20 = arith.constant 0 : i32
    %dma_start3A_21 = tpu.memref_slice %arg4[%add3A_19, %dma_start3A_20] : memref<140800x128xf32, #tpu.memory_space<hbm>> -> memref<400x128xf32, #tpu.memory_space<hbm>>
    %dma_start3A_22 = arith.constant 0 : i32
    %dma_start3A_23 = tpu.memref_slice %arg4[%add3A_19, %dma_start3A_22] : memref<140800x128xf32, #tpu.memory_space<hbm>> -> memref<400x128xf32, #tpu.memory_space<hbm>>
    tpu.enqueue_dma source(%arg7 : memref<400x128xf32, #tpu.memory_space<vmem>>) target(%dma_start3A_23 : memref<400x128xf32, #tpu.memory_space<hbm>>) target_semaphore(%arg11 : memref<!tpu.dma_semaphore, #tpu.memory_space<semaphore_mem>>)
    %dma_wait3A_24 = arith.constant 0 : i32
    %dma_wait3A_25 = arith.constant 0 : i32
    %dma_wait3A_26 = tpu.memref_slice %arg4[%dma_wait3A_24, %dma_wait3A_25] : memref<140800x128xf32, #tpu.memory_space<hbm>> -> memref<400x128xf32, #tpu.memory_space<hbm>>
    %dma_wait3A_27 = arith.constant 0 : i32
    %dma_wait3A_28 = arith.constant 0 : i32
    %dma_wait3A_29 = tpu.memref_slice %arg4[%dma_wait3A_27, %dma_wait3A_28] : memref<140800x128xf32, #tpu.memory_space<hbm>> -> memref<400x128xf32, #tpu.memory_space<hbm>>
    tpu.wait_dma2 semaphore(%arg12 : memref<!tpu.dma_semaphore, #tpu.memory_space<semaphore_mem>>) src(%arg8 : memref<400x128xf32, #tpu.memory_space<vmem>>) dst(%dma_wait3A_29 : memref<400x128xf32, #tpu.memory_space<hbm>>)
    %dma_wait3A_30 = arith.constant 0 : i32
    %dma_wait3A_31 = arith.constant 0 : i32
    %dma_wait3A_32 = tpu.memref_slice %arg4[%dma_wait3A_30, %dma_wait3A_31] : memref<140800x128xf32, #tpu.memory_space<hbm>> -> memref<400x128xf32, #tpu.memory_space<hbm>>
    %dma_wait3A_33 = arith.constant 0 : i32
    %dma_wait3A_34 = arith.constant 0 : i32
    %dma_wait3A_35 = tpu.memref_slice %arg4[%dma_wait3A_33, %dma_wait3A_34] : memref<140800x128xf32, #tpu.memory_space<hbm>> -> memref<400x128xf32, #tpu.memory_space<hbm>>
    tpu.wait_dma2 semaphore(%arg11 : memref<!tpu.dma_semaphore, #tpu.memory_space<semaphore_mem>>) src(%arg7 : memref<400x128xf32, #tpu.memory_space<vmem>>) dst(%dma_wait3A_35 : memref<400x128xf32, #tpu.memory_space<hbm>>)
    return
  }
}

module attributes {stable_mosaic.version = 14 : i64} {
  func.func @_concat(%arg0: i32, %arg1: memref<16x2560xf32, #tpu.memory_space<vmem>>, %arg2: memref<2560x128xf32, #tpu.memory_space<vmem>>, %arg3: memref<144x2560xf32, #tpu.memory_space<vmem>>) attributes {dimension_semantics = [#tpu.dimension_semantics<arbitrary>], iteration_bounds = array<i64: 30>, scalar_prefetch = 0 : i64, scratch_operands = 0 : i64, tpu.core_type = #tpu.core_type<tc>, window_params = [{transform_indices = @transform_0, window_bounds = array<i64: 16, 2560>}, {transform_indices = @transform_1, window_bounds = array<i64: 2560, 128>}, {transform_indices = @transform_2, window_bounds = array<i64: 144, 2560>}]} {
    %get3A = arith.constant 0 : index
    %get3A_0 = arith.constant 0 : index
    %get3A_1 = vector.load %arg1[%get3A, %get3A_0] : memref<16x2560xf32, #tpu.memory_space<vmem>>, vector<16x2560xf32>
    %swap3A = arith.constant 0 : index
    %swap3A_2 = arith.constant 0 : index
    %swap3A_3 = vector.load %arg3[%swap3A, %swap3A_2] : memref<144x2560xf32, #tpu.memory_space<vmem>>, vector<16x2560xf32>
    tpu.vector_store %arg3[%swap3A, %swap3A_2], %get3A_1 {strides = array<i32>} : memref<144x2560xf32, #tpu.memory_space<vmem>>, vector<16x2560xf32>,
    %get3A_4 = arith.constant 0 : index
    %get3A_5 = arith.constant 0 : index
    %get3A_6 = vector.load %arg2[%get3A_4, %get3A_5] : memref<2560x128xf32, #tpu.memory_space<vmem>>, vector<2560x128xf32>
    %transpose3A = tpu.transpose %get3A_6, [1, 0] : vector<2560x128xf32> -> vector<128x2560xf32>
    %swap3A_7 = arith.constant 16 : index
    %swap3A_8 = arith.constant 0 : index
    %swap3A_9 = vector.load %arg3[%swap3A_7, %swap3A_8] : memref<144x2560xf32, #tpu.memory_space<vmem>>, vector<128x2560xf32>
    tpu.vector_store %arg3[%swap3A_7, %swap3A_8], %transpose3A {strides = array<i32>} : memref<144x2560xf32, #tpu.memory_space<vmem>>, vector<128x2560xf32>,
    return
  }
  func.func @transform_0(%arg0: i32) -> (i32, i32) {
    %add3A = arith.constant 0 : i32
    %add3A_0 = arith.addi %arg0, %add3A : i32
    %c0_i32 = arith.constant 0 : i32
    %c0_i32_1 = arith.constant 0 : i32
    return %c0_i32, %add3A_0 : i32, i32
  }
  func.func @transform_1(%arg0: i32) -> (i32, i32) {
    %c0_i32 = arith.constant 0 : i32
    %c0_i32_0 = arith.constant 0 : i32
    return %arg0, %c0_i32 : i32, i32
  }
  func.func @transform_2(%arg0: i32) -> (i32, i32) {
    %add3A = arith.constant 0 : i32
    %add3A_0 = arith.addi %arg0, %add3A : i32
    %c0_i32 = arith.constant 0 : i32
    %c0_i32_1 = arith.constant 0 : i32
    return %c0_i32, %add3A_0 : i32, i32
  }
}

module attributes {stable_mosaic.version = 14 : i64} {
  func.func @_concat(%arg0: i32, %arg1: memref<16x2560xf32, #tpu.memory_space<vmem>>, %arg2: memref<2560x128xf32, #tpu.memory_space<vmem>>, %arg3: memref<144x320000xf32, #tpu.memory_space<any>>, %arg4: memref<144x2560xf32, #tpu.memory_space<vmem>>) attributes {dimension_semantics = [#tpu.dimension_semantics<arbitrary>], iteration_bounds = array<i64: 55>, scalar_prefetch = 0 : i64, scratch_operands = 0 : i64, tpu.core_type = #tpu.core_type<tc>, window_params = [{transform_indices = @transform_0, window_bounds = array<i64: 16, 2560>}, {transform_indices = @transform_1, window_bounds = array<i64: 2560, 128>}, {}, {transform_indices = @transform_3, window_bounds = array<i64: 144, 2560>}]} {
    %get3A = arith.constant 0 : index
    %get3A_0 = arith.constant 0 : index
    %get3A_1 = vector.load %arg1[%get3A, %get3A_0] : memref<16x2560xf32, #tpu.memory_space<vmem>>, vector<16x2560xf32>
    %swap3A = arith.constant 0 : index
    %swap3A_2 = arith.constant 0 : index
    %swap3A_3 = vector.load %arg4[%swap3A, %swap3A_2] : memref<144x2560xf32, #tpu.memory_space<vmem>>, vector<16x2560xf32>
    tpu.vector_store %arg4[%swap3A, %swap3A_2], %get3A_1 {strides = array<i32>} : memref<144x2560xf32, #tpu.memory_space<vmem>>, vector<16x2560xf32>,
    %get3A_4 = arith.constant 0 : index
    %get3A_5 = arith.constant 0 : index
    %get3A_6 = vector.load %arg2[%get3A_4, %get3A_5] : memref<2560x128xf32, #tpu.memory_space<vmem>>, vector<2560x128xf32>
    %transpose3A = tpu.transpose %get3A_6, [1, 0] : vector<2560x128xf32> -> vector<128x2560xf32>
    %swap3A_7 = arith.constant 16 : index
    %swap3A_8 = arith.constant 0 : index
    %swap3A_9 = vector.load %arg4[%swap3A_7, %swap3A_8] : memref<144x2560xf32, #tpu.memory_space<vmem>>, vector<128x2560xf32>
    tpu.vector_store %arg4[%swap3A_7, %swap3A_8], %transpose3A {strides = array<i32>} : memref<144x2560xf32, #tpu.memory_space<vmem>>, vector<128x2560xf32>,
    return
  }
  func.func @transform_0(%arg0: i32) -> (i32, i32) {
    %add3A = arith.constant 70 : i32
    %add3A_0 = arith.addi %arg0, %add3A : i32
    %c0_i32 = arith.constant 0 : i32
    %c0_i32_1 = arith.constant 0 : i32
    return %c0_i32, %add3A_0 : i32, i32
  }
  func.func @transform_1(%arg0: i32) -> (i32, i32) {
    %c0_i32 = arith.constant 0 : i32
    %c0_i32_0 = arith.constant 0 : i32
    return %arg0, %c0_i32 : i32, i32
  }
  func.func @transform_3(%arg0: i32) -> (i32, i32) {
    %add3A = arith.constant 70 : i32
    %add3A_0 = arith.addi %arg0, %add3A : i32
    %c0_i32 = arith.constant 0 : i32
    %c0_i32_1 = arith.constant 0 : i32
    return %c0_i32, %add3A_0 : i32, i32
  }
}

module attributes {stable_mosaic.version = 14 : i64} {
  func.func @_concat(%arg0: i32, %arg1: memref<16x2560xf32, #tpu.memory_space<vmem>>, %arg2: memref<2560x128xf32, #tpu.memory_space<vmem>>, %arg3: memref<144x320000xf32, #tpu.memory_space<any>>, %arg4: memref<144x2560xf32, #tpu.memory_space<vmem>>) attributes {dimension_semantics = [#tpu.dimension_semantics<arbitrary>], iteration_bounds = array<i64: 40>, scalar_prefetch = 0 : i64, scratch_operands = 0 : i64, tpu.core_type = #tpu.core_type<tc>, window_params = [{transform_indices = @transform_0, window_bounds = array<i64: 16, 2560>}, {transform_indices = @transform_1, window_bounds = array<i64: 2560, 128>}, {}, {transform_indices = @transform_3, window_bounds = array<i64: 144, 2560>}]} {
    %get3A = arith.constant 0 : index
    %get3A_0 = arith.constant 0 : index
    %get3A_1 = vector.load %arg1[%get3A, %get3A_0] : memref<16x2560xf32, #tpu.memory_space<vmem>>, vector<16x2560xf32>
    %swap3A = arith.constant 0 : index
    %swap3A_2 = arith.constant 0 : index
    %swap3A_3 = vector.load %arg4[%swap3A, %swap3A_2] : memref<144x2560xf32, #tpu.memory_space<vmem>>, vector<16x2560xf32>
    tpu.vector_store %arg4[%swap3A, %swap3A_2], %get3A_1 {strides = array<i32>} : memref<144x2560xf32, #tpu.memory_space<vmem>>, vector<16x2560xf32>,
    %get3A_4 = arith.constant 0 : index
    %get3A_5 = arith.constant 0 : index
    %get3A_6 = vector.load %arg2[%get3A_4, %get3A_5] : memref<2560x128xf32, #tpu.memory_space<vmem>>, vector<2560x128xf32>
    %transpose3A = tpu.transpose %get3A_6, [1, 0] : vector<2560x128xf32> -> vector<128x2560xf32>
    %swap3A_7 = arith.constant 16 : index
    %swap3A_8 = arith.constant 0 : index
    %swap3A_9 = vector.load %arg4[%swap3A_7, %swap3A_8] : memref<144x2560xf32, #tpu.memory_space<vmem>>, vector<128x2560xf32>
    tpu.vector_store %arg4[%swap3A_7, %swap3A_8], %transpose3A {strides = array<i32>} : memref<144x2560xf32, #tpu.memory_space<vmem>>, vector<128x2560xf32>,
    return
  }
  func.func @transform_0(%arg0: i32) -> (i32, i32) {
    %add3A = arith.constant 30 : i32
    %add3A_0 = arith.addi %arg0, %add3A : i32
    %c0_i32 = arith.constant 0 : i32
    %c0_i32_1 = arith.constant 0 : i32
    return %c0_i32, %add3A_0 : i32, i32
  }
  func.func @transform_1(%arg0: i32) -> (i32, i32) {
    %c0_i32 = arith.constant 0 : i32
    %c0_i32_0 = arith.constant 0 : i32
    return %arg0, %c0_i32 : i32, i32
  }
  func.func @transform_3(%arg0: i32) -> (i32, i32) {
    %add3A = arith.constant 30 : i32
    %add3A_0 = arith.addi %arg0, %add3A : i32
    %c0_i32 = arith.constant 0 : i32
    %c0_i32_1 = arith.constant 0 : i32
    return %c0_i32, %add3A_0 : i32, i32
  }
}

</mosaic_0001>

<sc_bundles>
// kernel: kernel.11.cloned.1.call-start
scs
__scs_entry_jumppad:
0x0: {  	(pc) =	sbr.rel $0x88, $3  }
0x1: {  	(tag) =	ssettag $0x0;
	lr =	simm.s32 $0x1  }
0x2: {  	[smem:$0x3F9E] =	sst lr;
	_ =	strace $0xD0000000  }
0x3: {  	_ = 	snop  }
0x4: {  	_ = 	snop  }
0x5: {  	_ = 	snop  }
0x6: {  	_ = 	snop  }
0x7: {  	_ = 	snop  }
__scs_overlays_trampoline_lowered:
0x8: {  	[smem:$0x3FAD] =	sst s0  }
0x9: {  	[smem:$0x3FAE] =	sst s1  }
0xa: {  	[smem:$0x3FAF] =	sst s2  }
0xb: {  	[smem:$0x3FB0] =	sst s3  }
0xc: {  	[smem:$0x3FB1] =	sst s4  }
0xd: {  	[smem:$0x3FB2] =	sst s5  }
0xe: {  	[smem:$0x3FB3] =	sst s6  }
0xf: {  	[smem:$0x3FB4] =	sst s7  }
0x10: {  	[smem:$0x3FB5] =	sst s8  }
0x11: {  	[smem:$0x3FB6] =	sst s9;
	s0 =	simm.s32 @!p0 $0x0  }
0x12: {  	s1 =	sld [smem:$0x3F9C];
	s0 =	simm.s32 @p0 $0x1  }
0x13: {  	[smem:$0x3FB7] =	sst s0;
	s0 =	simm.s32 @!p1 $0x0  }
0x14: {  	s2 =	sld [smem:$0x3F9B];
	s0 =	simm.s32 @p1 $0x1  }
0x15: {  	[smem:$0x3FB8] =	sst s0;
	s0 =	simm.s32 @!p2 $0x0  }
0x16: {  	s3 =	sld [smem:$0x3FDB];
	s0 =	simm.s32 @p2 $0x1  }
0x17: {  	s4 =	simm.s32 $0x1BF5;
	[smem:$0x3FBA] =	sst s0  }
0x18: {  	s0 =	sld [smem:$0x3F9D];
	_ =	swait.ge [sflag:s4], $0x0  }
0x19: {  	s7 =	sld [smem:$0x3F9E]  }
0x1a: {  	s8 =	sadd.s32 $0xFFFFE003, lr  }
0x1b: {  	s9 =	sadd.s32 $0xFFFFFEF7, lr;
	s5 =	simm.s32 $0xFFFFFFFF;
	p2 =	slt.u32 s8, $0xFFFFF086  }
0x1c: {  	p1 =	slt.u32 s9, $0xF7A;
	s5 =	simm.s32 @!p2 $0x0  }
0x1d: {  	s5 =	simm.s32 @p1 $0x1;
	p0 =	seq.s32 s7, s2  }
0x1e: {  	s7 =	smul.u32 @!p0 $0xF7A, s2;
	p2 =	seq.s32 @!p0 s5, $0x0  }
0x1f: {  	s9 =	smul.u32 $0xF7A, s1;
	s8 =	simm.s32 @!p0 $0x1BF5;
	p2 =	por !p2, p0  }
0x20: {  	[sflag:s8] =	ssyncset.s32 @!p0 $0xFFFFF086;
	s6 =	sadd.s32 @!p0 s3, s7;
	s7 =	simm.s32 @!p0 $0x108  }
0x21: {  	s3 =	sadd.s32 s3, s9;
	s6 =	sadd.s32 @!p0 $0x88, s6;
	s7 =	simm.s32 @p2 $0x1082  }
0x22: {  	[simem:s7], [sflag:s8] =	dma.local @!p0 [hbm:s6], $0xF7A  }
0x23: {  	s9 =	sor.u32 $0xD0000000, s2;
	s6 =	simm.s32 $0x108;
	_ =	swait.ge @!p0 [sflag:s8], $0x0  }
0x24: {  	s3 =	sadd.s32 $0x88, s3;
	s6 =	simm.s32 @!p1 $0x1082;
	[sflag:s4] =	ssyncset.s32 $0xFFFFF086  }
0x25: {  	[simem:s6], [sflag:s4] =	dma.local [hbm:s3], $0xF7A  }
0x26: {  	[smem:$0x3F9E] =	sst s1;
	(tag) =	ssettag s2;
	_ =	strace s9  }
0x27: {  	s1 =	sld [smem:$0x3FAE]  }
0x28: {  	s2 =	sld [smem:$0x3FAF]  }
0x29: {  	s4 =	sld [smem:$0x3FB1]  }
0x2a: {  	p0 =	seq.s32 s5, $0x0;
	s5 =	sld [smem:$0x3FB2]  }
0x2b: {  	s6 =	sld [smem:$0x3FB3]  }
0x2c: {  	s7 =	sld [smem:$0x3FB4]  }
0x2d: {  	s3 =	simm.s32 $0x108;
	s8 =	sld [smem:$0x3FB5]  }
0x2e: {  	s3 =	simm.s32 @!p0 $0x1082;
	s9 =	sld [smem:$0x3FB6]  }
0x2f: {  	lr =	sadd.s32 s0, s3;
	s0 =	sld [smem:$0x3FAD]  }
0x30: {  	s3 =	sld [smem:$0x3FB0]  }
0x31: {  	[smem:$0x3FB9] =	sst s10  }
0x32: {  	s10 =	sld [smem:$0x3FB7];
	_ =	sdelay $0x3  }
0x33: {  	p0 =	seq.s32 s10, $0x1;
	s10 =	sld [smem:$0x3FB9];
	_ =	sdelay $0x3  }
0x34: {  	[smem:$0x3FB9] =	sst s10  }
0x35: {  	s10 =	sld [smem:$0x3FB8];
	_ =	sdelay $0x3  }
0x36: {  	p1 =	seq.s32 s10, $0x1;
	s10 =	sld [smem:$0x3FB9];
	_ =	sdelay $0x3  }
0x37: {  	[smem:$0x3FB9] =	sst s10  }
0x38: {  	s10 =	sld [smem:$0x3FBA]  }
0x39: {  	_ = 	snop;
	(pc) =	sbr.ind lr, $3  }
0x3a: {  	_ = 	snop  }
0x3b: {  	_ = 	snop  }
0x3c: {  	p2 =	seq.s32 s10, $0x1;
	s10 =	sld [smem:$0x3FB9]  }
0x3d: {  	_ =	shalt  }
0x3e: {  	_ =	shalt  }
0x3f: {  	_ =	shalt  }
0x40: {  	_ =	shalt  }
0x41: {  	_ =	shalt  }
0x42: {  	_ =	shalt  }
0x43: {  	_ =	shalt  }
0x44: {  	_ =	shalt  }
0x45: {  	_ =	shalt  }
0x46: {  	_ =	shalt  }
0x47: {  	_ =	shalt  }
0x48: {  	_ =	shalt  }
0x49: {  	_ =	shalt  }
0x4a: {  	_ =	shalt  }
0x4b: {  	_ =	shalt  }
0x4c: {  	_ =	shalt  }
0x4d: {  	_ =	shalt  }
0x4e: {  	_ =	shalt  }
0x4f: {  	_ =	shalt  }
0x50: {  	_ =	shalt  }
0x51: {  	_ =	shalt  }
0x52: {  	_ =	shalt  }
0x53: {  	_ =	shalt  }
0x54: {  	_ =	shalt  }
0x55: {  	_ =	shalt  }
0x56: {  	_ =	shalt  }
0x57: {  	_ =	shalt  }
0x58: {  	_ =	shalt  }
0x59: {  	_ =	shalt  }
0x5a: {  	_ =	shalt  }
0x5b: {  	_ =	shalt  }
0x5c: {  	_ =	shalt  }
0x5d: {  	_ =	shalt  }
0x5e: {  	_ =	shalt  }
0x5f: {  	_ =	shalt  }
0x60: {  	_ =	shalt  }
0x61: {  	_ =	shalt  }
0x62: {  	_ =	shalt  }
0x63: {  	_ =	shalt  }
0x64: {  	_ =	shalt  }
0x65: {  	_ =	shalt  }
0x66: {  	_ =	shalt  }
0x67: {  	_ =	shalt  }
0x68: {  	_ =	shalt  }
0x69: {  	_ =	shalt  }
0x6a: {  	_ =	shalt  }
0x6b: {  	_ =	shalt  }
0x6c: {  	_ =	shalt  }
0x6d: {  	_ =	shalt  }
0x6e: {  	_ =	shalt  }
0x6f: {  	_ =	shalt  }
0x70: {  	_ =	shalt  }
0x71: {  	_ =	shalt  }
0x72: {  	_ =	shalt  }
0x73: {  	_ =	shalt  }
0x74: {  	_ =	shalt  }
0x75: {  	_ =	shalt  }
0x76: {  	_ =	shalt  }
0x77: {  	_ =	shalt  }
0x78: {  	_ =	shalt  }
0x79: {  	_ =	shalt  }
0x7a: {  	_ =	shalt  }
0x7b: {  	_ =	shalt  }
0x7c: {  	_ =	shalt  }
0x7d: {  	_ =	shalt  }
0x7e: {  	_ =	shalt  }
0x7f: {  	_ =	shalt  }
0x80: {  	_ =	shalt  }
0x81: {  	_ =	shalt  }
0x82: {  	_ =	shalt  }
0x83: {  	_ =	shalt  }
0x84: {  	_ =	shalt  }
0x85: {  	_ =	shalt  }
0x86: {  	_ =	shalt  }
0x87: {  	_ =	shalt  }
.Lfunc_end0:
.L_simem_size_0:
called_computation.1_lowered:
.L_overlay_start_0:
0x88: {  	s2 =	sld [smem:$0x3FD9]  }
0x89: {  	s3 =	sld [smem:$0x3FFE];
	_ =	sdelay $0x1  }
0x8a: {  	s1 =	srdreg.scid  }
0x8b: {  	s0 =	sand.u32 $0x1, s1  }
0x8c: {  	s17 =	sshll.u32 s0, $0xA;
	s2 =	sadd.s32 s3, s2  }
0x8d: {  	s2 =	sadd.s32 s2, s17  }
0x8e: {  	[smem:$0x3FC5] =	sst s2  }
0x8f: {  	_ = 	snop  }
0x90: {  	s18 =	sld [smem:$0x3FC9];
	(tm) =	ssettm $0x1  }
0x91: {  	s19 =	sld [smem:$0x3FFB];
	_ =	sdelay $0x3  }
0x92: {  	_ =	strace s19  }
0x93: {  	s2 =	sld [smem:$0x3FFC];
	_ =	sdelay $0x3  }
0x94: {  	_ =	strace s2  }
0x95: {  	s2 =	sld [smem:$0x3FFD];
	_ =	sdelay $0x3  }
0x96: {  	_ =	strace s2  }
0x97: {  	_ =	strace $0x8FFFFFFF  }
0x98: {  	s20 =	sld [smem:$0x3FDB];
	_ =	sdelay $0x1  }
0x99: {  	s4 =	simm.s32 $_scs_section_size  }
0x9a: {  	s5 =	simm.s32 $_size__tile_overlayer_lowered;
	s6 =	simm.s32 $_tile_overlayer_lowered  }
0x9b: {  	s7 =	simm.s32 $0x1BFF;
	s21 =	sshll.u32 s6, $0x1;
	s4 =	sadd.s32 s4, s20  }
0x9c: {  	s22 =	simm.s32 $0x0;
	s5 =	sshll.u32 s5, $0x1;
	s6 =	sadd.s32 s21, s4  }
0x9d: {  	[timem:s22], [sflag:s7] =	dma.local [hbm:s6], s5  }
0x9e: {  	_ =	swait.ge [sflag:s7], s5  }
0x9f: {  	s5 =	ssub.s32 $0x0, s5;
	[sflag:s7] =	ssyncset.done $0x0  }
0xa0: {  	[sflag:s7] =	ssyncadd.s32 s5;
	_ =	sdelay $0x1  }
0xa1: {  	s23 =	simm.s32 $0x1B8B  }
0xa2: {  	_ =	swait.ge [sflag:s23], $0x1  }
0xa3: {  	[sflag:s23] =	ssyncset.done $0x0  }
0xa4: {  	[sflag:s23] =	ssyncadd.s32 $0xFFFFFFFF  }
0xa5: {  	s5 =	sld [smem:$0x0]  }
0xa6: {  	s6 =	sand.u32 $0xFFFFFFFE, s1  }
0xa7: {  	p0 =	sne.s32 s1, s6  }
0xa8: {  	s6 =	sshll.u32 @p0 s6, $0xE  }
0xa9: {  	s6 =	sadd.s32 @p0 $0x11B8D, s6;
	s7 =	sshll.u32 @p0 s5, $0x11  }
0xaa: {  	s6 =	sor.u32 @p0 s7, s6  }
0xab: {  	[sflag:s6] =	ssyncadd.remote.s32 @p0 $0x1;
	_ =	sdelay $0x1  }
0xac: {  	s6 =	simm.s32 @p0 $0x1B8D  }
0xad: {  	_ =	swait.eq @p0 [sflag:s6], $0x1  }
0xae: {  	[sflag:s6] =	ssyncadd.s32 @p0 $0xFFFFFFFF  }
0xaf: {  	s7 =	sshll.u32 @!p0 s1, $0xE  }
0xb0: {  	s7 =	sor.u32 @!p0 $0x4000, s7;
	s6 =	simm.s32 @!p0 $0x1B8D  }
0xb1: {  	s5 =	sshll.u32 @!p0 s5, $0x11;
	s7 =	sadd.s32 @!p0 $0x11B8D, s7;
	_ =	swait.eq @!p0 [sflag:s6], $0x1  }
0xb2: {  	s5 =	sor.u32 @!p0 s5, s7;
	[sflag:s6] =	ssyncadd.s32 @!p0 $0xFFFFFFFF  }
0xb3: {  	s25 =	simm.s32 $0x1B8E;
	s24 =	sld [smem:$0x3FFE];
	[sflag:s5] =	ssyncadd.remote.s32 @!p0 $0x1  }
0xb4: {  	s26 =	simm.s32 $execute0_lowered;
	[smem:$0x3FD2] =	sst s25  }
0xb5: {  	s6 =	sshll.u32 s26, $0x1;
	_ =	strace $0x80000049;
	[dreg:$0x1] =	wrdreg $0xFFFFFFFF  }
0xb6: {  	s28 =	simm.s32 $_size_execute0_lowered;
	s4 =	sadd.s32 s4, s6;
	[dreg:$0x0] =	wrdreg $0x0  }
0xb7: {  	s6 =	sshll.u32 s28, $0x1;
	[dreg:$0x2] =	wrdreg s4  }
0xb8: {  	[dreg:$0x3] =	wrdreg s6  }
0xb9: {  	[dreg:$0x4] =	wrdreg $0xC0  }
0xba: {  	_ =	task [dreg:s22], $0x5FFFF  }
0xbb: {  	[dreg:$0x1] =	wrdreg $0xFFFFFFFF  }
0xbc: {  	[dreg:$0x0] =	wrdreg $0x60  }
0xbd: {  	[dreg:$0x2] =	wrdreg s18  }
0xbe: {  	[dreg:$0x3] =	wrdreg s24  }
0xbf: {  	[dreg:$0x4] =	wrdreg $0xA  }
0xc0: {  	_ =	task.clear_ibuf [dreg:s22], $0x5FFFF;
	_ =	strace $0x90000049  }
0xc1: {  	s29 =	simm.s32 $0xA;
	_ =	strace $0x8000004B  }
0xc2: {  	_ =	swait.ge [sflag:s29], $0x1  }
0xc3: {  	[sflag:s29] =	ssyncadd.s32 $0xFFFFFFFF  }
0xc4: {  	_ =	strace $0x9000004B  }
0xc5: {  	_ =	sfence  }
0xc6: {  	s30 =	sld [smem:$0x0];
	_ =	sdelay $0x2  }
0xc7: {  	s31 =	sshll.u32 s1, $0xD;
	s1 =	sshrl.u32 s1, $0x2  }
0xc8: {  	s4 =	sand.u32 $0x4000, s31;
	s1 =	sadd.s32 s1, s30  }
0xc9: {  	s0 =	sor.u32 s4, s0;
	s1 =	sshll.u32 s1, $0x11  }
0xca: {  	s0 =	sor.u32 s1, s0  }
0xcb: {  	s0 =	sadd.s32 $0x8F2B, s0  }
0xcc: {  	[sflag:s0] =	ssyncadd.remote.s32 $0x1  }
0xcd: {  	_ =	sfence.sel $0xFFFF  }
0xce: {  	[dreg:$0x0] =	wrdreg $0xFFFFFFFF;
	(pc) =	sbr.abs _section_cstart, $3  }
0xcf: {  	[dreg:$0x1] =	wrdreg $0xFFFFFFFF  }
0xd0: {  	_ =	task.clear_ibuf [dreg:s22], $0x2FFFF;
	_ =	strace $0x9FFFFFFF  }
0xd1: {  	(tm) =	ssettm $0x7FFFFFFF  }
tec
execute0_lowered:
.L_overlay_start_1:
0x0: {  	(tag) =	ssettag $0x1  }
0x1: {  	s2 =	rddreg [dreg:$0x0]  }
0x2: {  	s4 =	rddreg [dreg:$0x1]  }
0x3: {  	s0 =	rddreg [dreg:$0x2]  }
0x4: {  	s5 =	srdreg.scid;
	s1 =	stileid.u32  }
0x5: {  	s3 =	simm.s32 $0x0;
	s17 =	simm.s32 $0x1;
	s18 =	simm.s32 $0xA280  }
0x6: {  	s19 =	simm.s32 $0x2;
	s20 =	simm.s32 $0x3;
	s21 =	simm.s32 $0x4  }
0x7: {  	s22 =	simm.s32 $0x0;
	s11 =	sand.u32 $0x1, s5;
	s7 =	smul.u32 $0x1900, s1  }
0x8: {  	s26 =	sshll.u32 s1, $0x1;
	[smem:$0x7FF] =	sst s3;
	s16 =	smul.u32 $0x19000, s1  }
0x9: {  	s12 =	sadd.s32 $0xE00, s4;
	s13 =	sadd.s32 $0x136C00, s4;
	s9 =	smul.u32 $0xC80, s11  }
0xa: {  	s5 =	sor.u32 s11, s26;
	s28 =	ssub.s32 $0x2, s11;
	s11 =	smul.u32 $0xC800, s11  }
0xb: {  	_ =	strace $0x8000004A;
	s6 =	smul.u32 $0xC80, s5;
	s8 =	sshrl.u32 s28, $0x1  }
0xc: {  	s29 =	smul.u32 $0xC800, s5;
	s16 =	sadd.s32 s16, s13;
	s8 =	ssub.s32 s28, s8  }
0xd: {  	s14 =	sadd.s32 s9, s7;
	s31 =	sadd.s32 s11, s16;
	s16 =	simm.s32 $0x280  }
0xe: {  	s6 =	sshrl.u32 s6, $0x3;
	s5 =	smax.u32 s8, $0x1;
	s9 =	sadd.s32 $0x13100, s14  }
0xf: {  	s30 =	sadd.s32 $0x12FC0, s14;
	s14 =	sshll.u32 s14, $0x4;
	s10 =	sadd.s32 s12, s6  }
.Ltmp0:
0x10: {  	s6 =	sadd.s32 s13, s29;
	s15 =	sshrl.u32 s9, $0x3;
	(pc) =	sbr.rel .LBB2_1-.Ltmp0, $4  }
0x11: {  	s13 =	sadd.s32 s13, s14;
	s4 =	sadd.s32 $0x2580, s10;
	s7 =	sadd.s32 $0x25A8, s10  }
0x12: {  	s9 =	sadd.s32 $0x25D0, s10;
	s10 =	sadd.s32 s15, s12;
	s15 =	sshrl.u32 s30, $0x3  }
0x13: {  	s14 =	simm.s32 $0x5;
	s8 =	sadd.s32 $0x1400, s6;
	s11 =	sadd.s32 s15, s12  }
0x14: {  	s12 =	sadd.s32 $0x3C00, s13;
	s13 =	sadd.s32 $0x2800, s31;
	s15 =	simm.s32 $0x140  }
.LBB2_4:
0x15: {  	s22 =	sadd.s32 $0x1, s22  }
0x16: {  	p0 =	sne.s32 s22, s5  }
.Ltmp1:
0x17: {  	_ = 	snop;
	(pc) =	sbr.rel @!p0 .LBB2_5-.Ltmp1, $4  }
0x18: {  	_ = 	snop  }
0x19: {  	_ =	swait.ge [sflag:s21], $0xA000  }
0x1a: {  	[sflag:s21] =	ssyncset.done $0x0  }
0x1b: {  	[sflag:s21] =	ssyncadd.s32 $0xFFFF6000  }
.LBB2_1:
0x1c: {  	[tilespmem:s3], [sflag:$0x5] =	stream.linear.gather [hbm4b:s4+s3], $0x140, $0x38;
	[tilespmem:$0x14280] =	vst v63  }
0x1d: {  	_ =	swait.ge [sflag:s14], $0x140  }
0x1e: {  	[sflag:s14] =	ssyncset.done $0x0  }
0x1f: {  	[sflag:s14] =	ssyncadd.s32 $0xFFFFFEC0  }
0x20: {  	[tilespmem:s16], [sflag:$0x1] =	stream.indirect.gather [hbm4b:s2+s15], $0x80, s3, s15, $0xb8;
	[tilespmem:$0x14280] =	vst v63  }
0x21: {  	_ =	swait.ge [sflag:s17], $0xA000  }
0x22: {  	[sflag:s17] =	ssyncset.done $0x0  }
0x23: {  	[sflag:s17] =	ssyncadd.s32 $0xFFFF6000  }
0x24: {  	[hbm4b:s6+s3] =	stream.linear.scatter [tilespmem:s16], [sflag:$0x3], $0xA000, $0x38;
	[tilespmem:$0x14280] =	vst v63  }
0x25: {  	_ = 	snop  }
0x26: {  	[tilespmem:s15], [sflag:$0x5] =	stream.linear.gather [hbm4b:s7+s3], $0x140, $0x38;
	[tilespmem:$0x14280] =	vst v63  }
0x27: {  	_ =	swait.ge [sflag:s14], $0x140  }
0x28: {  	[sflag:s14] =	ssyncset.done $0x0  }
0x29: {  	[sflag:s14] =	ssyncadd.s32 $0xFFFFFEC0  }
0x2a: {  	[tilespmem:s18], [sflag:$0x2] =	stream.indirect.gather [hbm4b:s2+s15], $0x80, s15, s15, $0xb8;
	[tilespmem:$0x14280] =	vst v63  }
0x2b: {  	_ =	swait.ge [sflag:s19], $0xA000  }
0x2c: {  	[sflag:s19] =	ssyncset.done $0x0  }
0x2d: {  	[sflag:s19] =	ssyncadd.s32 $0xFFFF6000  }
0x2e: {  	[hbm4b:s8+s3] =	stream.linear.scatter [tilespmem:s18], [sflag:$0x4], $0xA000, $0x38;
	[tilespmem:$0x14280] =	vst v63  }
0x2f: {  	_ =	swait.ge [sflag:s20], $0xA000  }
0x30: {  	[sflag:s20] =	ssyncset.done $0x0  }
0x31: {  	[sflag:s20] =	ssyncadd.s32 $0xFFFF6000  }
0x32: {  	[tilespmem:s3], [sflag:$0x5] =	stream.linear.gather [hbm4b:s9+s3], $0x140, $0x38;
	[tilespmem:$0x14280] =	vst v63  }
0x33: {  	_ =	swait.ge [sflag:s14], $0x140  }
0x34: {  	s23 =	smov.u32 s13;
	[sflag:s14] =	ssyncset.done $0x0  }
0x35: {  	s24 =	smov.u32 s12;
	s25 =	simm.s32 $0x0;
	[sflag:s14] =	ssyncadd.s32 $0xFFFFFEC0  }
0x36: {  	[tilespmem:s16], [sflag:$0x1] =	stream.indirect.gather [hbm4b:s2+s15], $0x80, s3, s15, $0xb8;
	[tilespmem:$0x14280] =	vst v63  }
.LBB2_2:
0x37: {  	_ =	swait.ge [sflag:s17], $0xA000  }
0x38: {  	[sflag:s17] =	ssyncset.done $0x0  }
0x39: {  	[sflag:s17] =	ssyncadd.s32 $0xFFFF6000  }
0x3a: {  	[hbm4b:s23+s3] =	stream.linear.scatter [tilespmem:s16], [sflag:$0x3], $0xA000, $0x38;
	[tilespmem:$0x14280] =	vst v63  }
0x3b: {  	_ =	swait.ge [sflag:s21], $0xA000  }
0x3c: {  	[sflag:s21] =	ssyncset.done $0x0  }
0x3d: {  	s26 =	sadd.s32 s25, s11;
	[sflag:s21] =	ssyncadd.s32 $0xFFFF6000  }
0x3e: {  	[tilespmem:s15], [sflag:$0x5] =	stream.linear.gather [hbm4b:s26+s3], $0x140, $0x38;
	[tilespmem:$0x14280] =	vst v63  }
0x3f: {  	_ =	swait.ge [sflag:s14], $0x140  }
0x40: {  	[sflag:s14] =	ssyncset.done $0x0  }
0x41: {  	[sflag:s14] =	ssyncadd.s32 $0xFFFFFEC0  }
0x42: {  	[tilespmem:s18], [sflag:$0x2] =	stream.indirect.gather [hbm4b:s2+s15], $0x80, s15, s15, $0xb8;
	[tilespmem:$0x14280] =	vst v63  }
0x43: {  	_ =	swait.ge [sflag:s19], $0xA000  }
0x44: {  	p0 =	seq.s32 s25, $0xF0;
	[sflag:s19] =	ssyncset.done $0x0  }
.Ltmp2:
0x45: {  	[sflag:s19] =	ssyncadd.s32 $0xFFFF6000;
	(pc) =	sbr.rel @p0 .LBB2_4-.Ltmp2, $4  }
0x46: {  	[hbm4b:s24+s3] =	stream.linear.scatter [tilespmem:s18], [sflag:$0x4], $0xA000, $0x38;
	[tilespmem:$0x14280] =	vst v63  }
0x47: {  	_ =	swait.ge [sflag:s20], $0xA000  }
0x48: {  	[sflag:s20] =	ssyncset.done $0x0  }
0x49: {  	[sflag:s20] =	ssyncadd.s32 $0xFFFF6000  }
0x4a: {  	s26 =	sadd.s32 s25, s10  }
0x4b: {  	[tilespmem:s3], [sflag:$0x5] =	stream.linear.gather [hbm4b:s26+s3], $0x140, $0x38;
	[tilespmem:$0x14280] =	vst v63  }
.Ltmp3:
0x4c: {  	_ = 	snop;
	(pc) =	sbr.rel .LBB2_2-.Ltmp3, $4  }
0x4d: {  	_ =	swait.ge [sflag:s14], $0x140  }
0x4e: {  	s25 =	sadd.s32 $0x50, s25;
	[sflag:s14] =	ssyncset.done $0x0  }
0x4f: {  	s24 =	sadd.s32 $0x2800, s24;
	s23 =	sadd.s32 $0x2800, s23;
	[sflag:s14] =	ssyncadd.s32 $0xFFFFFEC0  }
0x50: {  	[tilespmem:s16], [sflag:$0x1] =	stream.indirect.gather [hbm4b:s2+s15], $0x80, s3, s15, $0xb8;
	[tilespmem:$0x14280] =	vst v63  }
.LBB2_5:
0x51: {  	_ =	sfence.sel $0x180000  }
0x52: {  	[bflag:$0x0] =	sbarrier.arrive $0xFFFF  }
0x53: {  	p0 =	sne.s32 s1, $0x0;
	_ =	strace $0x9000004A  }
0x54: {  	s0 =	sadd.s32 @!p0 $0x100000, s0;
	[bflag:$0x2] =	sbarrier.arrive $0xFFFF  }
0x55: {  	[sflag:s0] =	ssyncadd.tile.s32 @!p0 $0x1;
	_ =	shalt  }
.Lfunc_end2:
_tile_overlayer_lowered:
.L_overlay_start_2:
0x56: {  	(tag) =	ssettag $0x2  }
0x57: {  	s0 =	rddreg [dreg:$0x0];
	s2 =	stileid.u32  }
0x58: {  	s1 =	rddreg [dreg:$0x1];
	p0 =	sne.s32 s2, $0x0  }
0x59: {  	s3 =	rddreg [dreg:$0x2];
	[bflag:$0x3] =	sbarrier.arrive $0xFFFF;
	s2 =	simm.s32 @!p0 $0x1C05  }
0x5a: {  	[timem:s3], [sflag:s2] =	dma.local @!p0 [hbm:s0], s1  }
0x5b: {  	s0 =	simm.s32 @!p0 $0x5  }
0x5c: {  	_ =	swait.ge @!p0 [sflag:s0], s1  }
0x5d: {  	s1 =	ssub.s32 @!p0 $0x0, s1;
	[sflag:s0] =	ssyncset.done @!p0 $0x0  }
0x5e: {  	[sflag:s0] =	ssyncadd.s32 @!p0 s1  }
0x5f: {  	[bflag:$0x3] =	sbarrier.arrive $0xFFFF  }
0x60: {  	_ =	shalt  }

// kernel: kernel.14.cloned.1.call-start
scs
__scs_entry_jumppad:
0x0: {  	(pc) =	sbr.rel $0x88, $3  }
0x1: {  	(tag) =	ssettag $0x0;
	lr =	simm.s32 $0x1  }
0x2: {  	[smem:$0x3F9E] =	sst lr;
	_ =	strace $0xD0000000  }
0x3: {  	_ = 	snop  }
0x4: {  	_ = 	snop  }
0x5: {  	_ = 	snop  }
0x6: {  	_ = 	snop  }
0x7: {  	_ = 	snop  }
__scs_overlays_trampoline_lowered:
0x8: {  	[smem:$0x3FAD] =	sst s0  }
0x9: {  	[smem:$0x3FAE] =	sst s1  }
0xa: {  	[smem:$0x3FAF] =	sst s2  }
0xb: {  	[smem:$0x3FB0] =	sst s3  }
0xc: {  	[smem:$0x3FB1] =	sst s4  }
0xd: {  	[smem:$0x3FB2] =	sst s5  }
0xe: {  	[smem:$0x3FB3] =	sst s6  }
0xf: {  	[smem:$0x3FB4] =	sst s7  }
0x10: {  	[smem:$0x3FB5] =	sst s8  }
0x11: {  	[smem:$0x3FB6] =	sst s9;
	s0 =	simm.s32 @!p0 $0x0  }
0x12: {  	s1 =	sld [smem:$0x3F9C];
	s0 =	simm.s32 @p0 $0x1  }
0x13: {  	[smem:$0x3FB7] =	sst s0;
	s0 =	simm.s32 @!p1 $0x0  }
0x14: {  	s2 =	sld [smem:$0x3F9B];
	s0 =	simm.s32 @p1 $0x1  }
0x15: {  	[smem:$0x3FB8] =	sst s0;
	s0 =	simm.s32 @!p2 $0x0  }
0x16: {  	s3 =	sld [smem:$0x3FDB];
	s0 =	simm.s32 @p2 $0x1  }
0x17: {  	s4 =	simm.s32 $0x1BF5;
	[smem:$0x3FBA] =	sst s0  }
0x18: {  	s0 =	sld [smem:$0x3F9D];
	_ =	swait.ge [sflag:s4], $0x0  }
0x19: {  	s7 =	sld [smem:$0x3F9E]  }
0x1a: {  	s8 =	sadd.s32 $0xFFFFE003, lr  }
0x1b: {  	s9 =	sadd.s32 $0xFFFFFEF7, lr;
	s5 =	simm.s32 $0xFFFFFFFF;
	p2 =	slt.u32 s8, $0xFFFFF086  }
0x1c: {  	p1 =	slt.u32 s9, $0xF7A;
	s5 =	simm.s32 @!p2 $0x0  }
0x1d: {  	s5 =	simm.s32 @p1 $0x1;
	p0 =	seq.s32 s7, s2  }
0x1e: {  	s7 =	smul.u32 @!p0 $0xF7A, s2;
	p2 =	seq.s32 @!p0 s5, $0x0  }
0x1f: {  	s9 =	smul.u32 $0xF7A, s1;
	s8 =	simm.s32 @!p0 $0x1BF5;
	p2 =	por !p2, p0  }
0x20: {  	[sflag:s8] =	ssyncset.s32 @!p0 $0xFFFFF086;
	s6 =	sadd.s32 @!p0 s3, s7;
	s7 =	simm.s32 @!p0 $0x108  }
0x21: {  	s3 =	sadd.s32 s3, s9;
	s6 =	sadd.s32 @!p0 $0x88, s6;
	s7 =	simm.s32 @p2 $0x1082  }
0x22: {  	[simem:s7], [sflag:s8] =	dma.local @!p0 [hbm:s6], $0xF7A  }
0x23: {  	s9 =	sor.u32 $0xD0000000, s2;
	s6 =	simm.s32 $0x108;
	_ =	swait.ge @!p0 [sflag:s8], $0x0  }
0x24: {  	s3 =	sadd.s32 $0x88, s3;
	s6 =	simm.s32 @!p1 $0x1082;
	[sflag:s4] =	ssyncset.s32 $0xFFFFF086  }
0x25: {  	[simem:s6], [sflag:s4] =	dma.local [hbm:s3], $0xF7A  }
0x26: {  	[smem:$0x3F9E] =	sst s1;
	(tag) =	ssettag s2;
	_ =	strace s9  }
0x27: {  	s1 =	sld [smem:$0x3FAE]  }
0x28: {  	s2 =	sld [smem:$0x3FAF]  }
0x29: {  	s4 =	sld [smem:$0x3FB1]  }
0x2a: {  	p0 =	seq.s32 s5, $0x0;
	s5 =	sld [smem:$0x3FB2]  }
0x2b: {  	s6 =	sld [smem:$0x3FB3]  }
0x2c: {  	s7 =	sld [smem:$0x3FB4]  }
0x2d: {  	s3 =	simm.s32 $0x108;
	s8 =	sld [smem:$0x3FB5]  }
0x2e: {  	s3 =	simm.s32 @!p0 $0x1082;
	s9 =	sld [smem:$0x3FB6]  }
0x2f: {  	lr =	sadd.s32 s0, s3;
	s0 =	sld [smem:$0x3FAD]  }
0x30: {  	s3 =	sld [smem:$0x3FB0]  }
0x31: {  	[smem:$0x3FB9] =	sst s10  }
0x32: {  	s10 =	sld [smem:$0x3FB7];
	_ =	sdelay $0x3  }
0x33: {  	p0 =	seq.s32 s10, $0x1;
	s10 =	sld [smem:$0x3FB9];
	_ =	sdelay $0x3  }
0x34: {  	[smem:$0x3FB9] =	sst s10  }
0x35: {  	s10 =	sld [smem:$0x3FB8];
	_ =	sdelay $0x3  }
0x36: {  	p1 =	seq.s32 s10, $0x1;
	s10 =	sld [smem:$0x3FB9];
	_ =	sdelay $0x3  }
0x37: {  	[smem:$0x3FB9] =	sst s10  }
0x38: {  	s10 =	sld [smem:$0x3FBA]  }
0x39: {  	_ = 	snop;
	(pc) =	sbr.ind lr, $3  }
0x3a: {  	_ = 	snop  }
0x3b: {  	_ = 	snop  }
0x3c: {  	p2 =	seq.s32 s10, $0x1;
	s10 =	sld [smem:$0x3FB9]  }
0x3d: {  	_ =	shalt  }
0x3e: {  	_ =	shalt  }
0x3f: {  	_ =	shalt  }
0x40: {  	_ =	shalt  }
0x41: {  	_ =	shalt  }
0x42: {  	_ =	shalt  }
0x43: {  	_ =	shalt  }
0x44: {  	_ =	shalt  }
0x45: {  	_ =	shalt  }
0x46: {  	_ =	shalt  }
0x47: {  	_ =	shalt  }
0x48: {  	_ =	shalt  }
0x49: {  	_ =	shalt  }
0x4a: {  	_ =	shalt  }
0x4b: {  	_ =	shalt  }
0x4c: {  	_ =	shalt  }
0x4d: {  	_ =	shalt  }
0x4e: {  	_ =	shalt  }
0x4f: {  	_ =	shalt  }
0x50: {  	_ =	shalt  }
0x51: {  	_ =	shalt  }
0x52: {  	_ =	shalt  }
0x53: {  	_ =	shalt  }
0x54: {  	_ =	shalt  }
0x55: {  	_ =	shalt  }
0x56: {  	_ =	shalt  }
0x57: {  	_ =	shalt  }
0x58: {  	_ =	shalt  }
0x59: {  	_ =	shalt  }
0x5a: {  	_ =	shalt  }
0x5b: {  	_ =	shalt  }
0x5c: {  	_ =	shalt  }
0x5d: {  	_ =	shalt  }
0x5e: {  	_ =	shalt  }
0x5f: {  	_ =	shalt  }
0x60: {  	_ =	shalt  }
0x61: {  	_ =	shalt  }
0x62: {  	_ =	shalt  }
0x63: {  	_ =	shalt  }
0x64: {  	_ =	shalt  }
0x65: {  	_ =	shalt  }
0x66: {  	_ =	shalt  }
0x67: {  	_ =	shalt  }
0x68: {  	_ =	shalt  }
0x69: {  	_ =	shalt  }
0x6a: {  	_ =	shalt  }
0x6b: {  	_ =	shalt  }
0x6c: {  	_ =	shalt  }
0x6d: {  	_ =	shalt  }
0x6e: {  	_ =	shalt  }
0x6f: {  	_ =	shalt  }
0x70: {  	_ =	shalt  }
0x71: {  	_ =	shalt  }
0x72: {  	_ =	shalt  }
0x73: {  	_ =	shalt  }
0x74: {  	_ =	shalt  }
0x75: {  	_ =	shalt  }
0x76: {  	_ =	shalt  }
0x77: {  	_ =	shalt  }
0x78: {  	_ =	shalt  }
0x79: {  	_ =	shalt  }
0x7a: {  	_ =	shalt  }
0x7b: {  	_ =	shalt  }
0x7c: {  	_ =	shalt  }
0x7d: {  	_ =	shalt  }
0x7e: {  	_ =	shalt  }
0x7f: {  	_ =	shalt  }
0x80: {  	_ =	shalt  }
0x81: {  	_ =	shalt  }
0x82: {  	_ =	shalt  }
0x83: {  	_ =	shalt  }
0x84: {  	_ =	shalt  }
0x85: {  	_ =	shalt  }
0x86: {  	_ =	shalt  }
0x87: {  	_ =	shalt  }
.Lfunc_end0:
.L_simem_size_0:
called_computation.2_lowered:
.L_overlay_start_0:
0x88: {  	s2 =	sld [smem:$0x3FD9]  }
0x89: {  	s3 =	sld [smem:$0x3FFE];
	_ =	sdelay $0x1  }
0x8a: {  	s1 =	srdreg.scid  }
0x8b: {  	s0 =	sand.u32 $0x1, s1  }
0x8c: {  	s17 =	sshll.u32 s0, $0xA;
	s2 =	sadd.s32 s3, s2  }
0x8d: {  	s2 =	sadd.s32 s2, s17  }
0x8e: {  	[smem:$0x3FC5] =	sst s2  }
0x8f: {  	_ = 	snop  }
0x90: {  	s18 =	sld [smem:$0x3FC9];
	(tm) =	ssettm $0x1  }
0x91: {  	s19 =	sld [smem:$0x3FFB];
	_ =	sdelay $0x3  }
0x92: {  	_ =	strace s19  }
0x93: {  	s2 =	sld [smem:$0x3FFC];
	_ =	sdelay $0x3  }
0x94: {  	_ =	strace s2  }
0x95: {  	s2 =	sld [smem:$0x3FFD];
	_ =	sdelay $0x3  }
0x96: {  	_ =	strace s2  }
0x97: {  	_ =	strace $0x8FFFFFFF  }
0x98: {  	s20 =	sld [smem:$0x3FDB];
	_ =	sdelay $0x1  }
0x99: {  	s4 =	simm.s32 $_scs_section_size  }
0x9a: {  	s5 =	simm.s32 $_size__tile_overlayer_lowered;
	s6 =	simm.s32 $_tile_overlayer_lowered  }
0x9b: {  	s7 =	simm.s32 $0x1BFF;
	s21 =	sshll.u32 s6, $0x1;
	s4 =	sadd.s32 s4, s20  }
0x9c: {  	s22 =	simm.s32 $0x0;
	s5 =	sshll.u32 s5, $0x1;
	s6 =	sadd.s32 s21, s4  }
0x9d: {  	[timem:s22], [sflag:s7] =	dma.local [hbm:s6], s5  }
0x9e: {  	_ =	swait.ge [sflag:s7], s5  }
0x9f: {  	s5 =	ssub.s32 $0x0, s5;
	[sflag:s7] =	ssyncset.done $0x0  }
0xa0: {  	[sflag:s7] =	ssyncadd.s32 s5;
	_ =	sdelay $0x1  }
0xa1: {  	s23 =	simm.s32 $0x1B8B  }
0xa2: {  	_ =	swait.ge [sflag:s23], $0x1  }
0xa3: {  	[sflag:s23] =	ssyncset.done $0x0  }
0xa4: {  	[sflag:s23] =	ssyncadd.s32 $0xFFFFFFFF  }
0xa5: {  	s5 =	sld [smem:$0x0]  }
0xa6: {  	s6 =	sand.u32 $0xFFFFFFFE, s1  }
0xa7: {  	p0 =	sne.s32 s1, s6  }
0xa8: {  	s6 =	sshll.u32 @p0 s6, $0xE  }
0xa9: {  	s6 =	sadd.s32 @p0 $0x11B8D, s6;
	s7 =	sshll.u32 @p0 s5, $0x11  }
0xaa: {  	s6 =	sor.u32 @p0 s7, s6  }
0xab: {  	[sflag:s6] =	ssyncadd.remote.s32 @p0 $0x1;
	_ =	sdelay $0x1  }
0xac: {  	s6 =	simm.s32 @p0 $0x1B8D  }
0xad: {  	_ =	swait.eq @p0 [sflag:s6], $0x1  }
0xae: {  	[sflag:s6] =	ssyncadd.s32 @p0 $0xFFFFFFFF  }
0xaf: {  	s7 =	sshll.u32 @!p0 s1, $0xE  }
0xb0: {  	s7 =	sor.u32 @!p0 $0x4000, s7;
	s6 =	simm.s32 @!p0 $0x1B8D  }
0xb1: {  	s5 =	sshll.u32 @!p0 s5, $0x11;
	s7 =	sadd.s32 @!p0 $0x11B8D, s7;
	_ =	swait.eq @!p0 [sflag:s6], $0x1  }
0xb2: {  	s5 =	sor.u32 @!p0 s5, s7;
	[sflag:s6] =	ssyncadd.s32 @!p0 $0xFFFFFFFF  }
0xb3: {  	s25 =	simm.s32 $0x1B8E;
	s24 =	sld [smem:$0x3FFE];
	[sflag:s5] =	ssyncadd.remote.s32 @!p0 $0x1  }
0xb4: {  	s26 =	simm.s32 $execute0_lowered;
	[smem:$0x3FD2] =	sst s25  }
0xb5: {  	s6 =	sshll.u32 s26, $0x1;
	_ =	strace $0x8000004C;
	[dreg:$0x1] =	wrdreg $0xFFFFFFFF  }
0xb6: {  	s28 =	simm.s32 $_size_execute0_lowered;
	s4 =	sadd.s32 s4, s6;
	[dreg:$0x0] =	wrdreg $0x0  }
0xb7: {  	s6 =	sshll.u32 s28, $0x1;
	[dreg:$0x2] =	wrdreg s4  }
0xb8: {  	[dreg:$0x3] =	wrdreg s6  }
0xb9: {  	[dreg:$0x4] =	wrdreg $0xC0  }
0xba: {  	_ =	task [dreg:s22], $0x5FFFF  }
0xbb: {  	[dreg:$0x1] =	wrdreg $0xFFFFFFFF  }
0xbc: {  	[dreg:$0x0] =	wrdreg $0x60  }
0xbd: {  	[dreg:$0x2] =	wrdreg s18  }
0xbe: {  	[dreg:$0x3] =	wrdreg s24  }
0xbf: {  	[dreg:$0x4] =	wrdreg $0xB  }
0xc0: {  	_ =	task.clear_ibuf [dreg:s22], $0x5FFFF;
	_ =	strace $0x9000004C  }
0xc1: {  	s29 =	simm.s32 $0xB;
	_ =	strace $0x8000004E  }
0xc2: {  	_ =	swait.ge [sflag:s29], $0x1  }
0xc3: {  	[sflag:s29] =	ssyncadd.s32 $0xFFFFFFFF  }
0xc4: {  	_ =	strace $0x9000004E  }
0xc5: {  	_ =	sfence  }
0xc6: {  	s30 =	sld [smem:$0x0];
	_ =	sdelay $0x2  }
0xc7: {  	s31 =	sshll.u32 s1, $0xD;
	s1 =	sshrl.u32 s1, $0x2  }
0xc8: {  	s4 =	sand.u32 $0x4000, s31;
	s1 =	sadd.s32 s1, s30  }
0xc9: {  	s0 =	sor.u32 s4, s0;
	s1 =	sshll.u32 s1, $0x11  }
0xca: {  	s0 =	sor.u32 s1, s0  }
0xcb: {  	s0 =	sadd.s32 $0x8F2B, s0  }
0xcc: {  	[sflag:s0] =	ssyncadd.remote.s32 $0x1  }
0xcd: {  	_ =	sfence.sel $0xFFFF  }
0xce: {  	[dreg:$0x0] =	wrdreg $0xFFFFFFFF;
	(pc) =	sbr.abs _section_cstart, $3  }
0xcf: {  	[dreg:$0x1] =	wrdreg $0xFFFFFFFF  }
0xd0: {  	_ =	task.clear_ibuf [dreg:s22], $0x2FFFF;
	_ =	strace $0x9FFFFFFF  }
0xd1: {  	(tm) =	ssettm $0x7FFFFFFF  }
tec
execute0_lowered:
.L_overlay_start_1:
0x0: {  	(tag) =	ssettag $0x1  }
0x1: {  	s1 =	rddreg [dreg:$0x0]  }
0x2: {  	s4 =	rddreg [dreg:$0x1]  }
0x3: {  	s0 =	rddreg [dreg:$0x2];
	s3 =	simm.s32 $0x0;
	s5 =	srdreg.scid  }
0x4: {  	s2 =	stileid.u32;
	s18 =	simm.s32 $0x1;
	s19 =	simm.s32 $0xCB20  }
0x5: {  	s20 =	simm.s32 $0x2;
	s21 =	simm.s32 $0x3;
	s29 =	smul.u32 $0x2260, s2  }
0x6: {  	s22 =	simm.s32 $0x4;
	s12 =	sand.u32 $0x1, s5;
	s16 =	smul.u32 $0x22600, s2  }
0x7: {  	s23 =	simm.s32 $0x0;
	s25 =	sshll.u32 s2, $0x1;
	s9 =	smul.u32 $0x1130, s12  }
0x8: {  	s5 =	sor.u32 s12, s25;
	s6 =	ssub.s32 $0x2, s12;
	s12 =	smul.u32 $0x11300, s12  }
0x9: {  	[smem:$0x7FF] =	sst s3;
	s14 =	sadd.s32 $0x2C6C00, s4;
	s7 =	smul.u32 $0x1130, s5  }
0xa: {  	s13 =	sadd.s32 $0xE00, s4;
	_ =	strace $0x8000004D;
	s8 =	smul.u32 $0x89800, s5  }
0xb: {  	s26 =	sshrl.u32 s6, $0x1;
	s11 =	smul.u32 $0x11300, s5;
	s16 =	sadd.s32 s16, s14  }
0xc: {  	s6 =	ssub.s32 s6, s26;
	s15 =	sadd.s32 s9, s29;
	s31 =	sadd.s32 s12, s16  }
0xd: {  	s16 =	simm.s32 $0x190;
	s28 =	sshrl.u32 s7, $0x3;
	s8 =	sshrl.u32 s8, $0x3  }
0xe: {  	s6 =	smax.u32 s6, $0x1;
	s7 =	sadd.s32 s14, s11;
	s30 =	sadd.s32 $0x2C240, s15  }
0xf: {  	s17 =	sadd.s32 $0x2C0B0, s15;
	s15 =	sshll.u32 s15, $0x4;
	s10 =	sadd.s32 s13, s28  }
0x10: {  	s8 =	sadd.s32 s14, s8;
	s9 =	sadd.s32 $0x1900, s7;
	s11 =	sshrl.u32 s30, $0x3  }
0x11: {  	s17 =	sshrl.u32 s17, $0x3;
	s14 =	sadd.s32 s14, s15;
	s15 =	simm.s32 $0x5  }
0x12: {  	s4 =	sadd.s32 $0x5780, s10;
	s5 =	sadd.s32 $0xFA00, s8;
	s8 =	sadd.s32 $0x57B2, s10  }
0x13: {  	s10 =	sadd.s32 $0x57E4, s10;
	s11 =	sadd.s32 s11, s13;
	s12 =	sadd.s32 s17, s13  }
0x14: {  	s13 =	sadd.s32 $0x4B00, s14;
	s14 =	sadd.s32 $0x3200, s31;
	s17 =	simm.s32 $0x320  }
.LBB2_1:
0x15: {  	[tilespmem:s3], [sflag:$0x5] =	stream.linear.gather [hbm4b:s4+s3], $0x190, $0x38;
	[tilespmem:$0x19320] =	vst v63  }
0x16: {  	_ =	swait.ge [sflag:s15], $0x190  }
0x17: {  	[sflag:s15] =	ssyncset.done $0x0  }
0x18: {  	[sflag:s15] =	ssyncadd.s32 $0xFFFFFE70  }
0x19: {  	[tilespmem:s17], [sflag:$0x1] =	stream.indirect.gather [hbm4b:s1+s16], $0x80, s3, s16, $0xb8;
	[tilespmem:$0x19320] =	vst v63  }
0x1a: {  	_ =	swait.ge [sflag:s18], $0xC800  }
0x1b: {  	[sflag:s18] =	ssyncset.done $0x0  }
0x1c: {  	[sflag:s18] =	ssyncadd.s32 $0xFFFF3800  }
0x1d: {  	[hbm4b:s7+s3] =	stream.linear.scatter [tilespmem:s17], [sflag:$0x3], $0xC800, $0x38;
	[tilespmem:$0x19320] =	vst v63  }
0x1e: {  	_ = 	snop  }
0x1f: {  	[tilespmem:s16], [sflag:$0x5] =	stream.linear.gather [hbm4b:s8+s3], $0x190, $0x38;
	[tilespmem:$0x19320] =	vst v63  }
0x20: {  	_ =	swait.ge [sflag:s15], $0x190  }
0x21: {  	[sflag:s15] =	ssyncset.done $0x0  }
0x22: {  	[sflag:s15] =	ssyncadd.s32 $0xFFFFFE70  }
0x23: {  	[tilespmem:s19], [sflag:$0x2] =	stream.indirect.gather [hbm4b:s1+s16], $0x80, s16, s16, $0xb8;
	[tilespmem:$0x19320] =	vst v63  }
0x24: {  	_ =	swait.ge [sflag:s20], $0xC800  }
0x25: {  	[sflag:s20] =	ssyncset.done $0x0  }
0x26: {  	[sflag:s20] =	ssyncadd.s32 $0xFFFF3800  }
0x27: {  	[hbm4b:s9+s3] =	stream.linear.scatter [tilespmem:s19], [sflag:$0x4], $0xC800, $0x38;
	[tilespmem:$0x19320] =	vst v63  }
0x28: {  	_ =	swait.ge [sflag:s21], $0xC800  }
0x29: {  	[sflag:s21] =	ssyncset.done $0x0  }
0x2a: {  	[sflag:s21] =	ssyncadd.s32 $0xFFFF3800  }
0x2b: {  	[tilespmem:s3], [sflag:$0x5] =	stream.linear.gather [hbm4b:s10+s3], $0x190, $0x38;
	[tilespmem:$0x19320] =	vst v63  }
0x2c: {  	_ =	swait.ge [sflag:s15], $0x190  }
0x2d: {  	[sflag:s15] =	ssyncset.done $0x0  }
0x2e: {  	[sflag:s15] =	ssyncadd.s32 $0xFFFFFE70  }
0x2f: {  	[tilespmem:s17], [sflag:$0x1] =	stream.indirect.gather [hbm4b:s1+s16], $0x80, s3, s16, $0xb8;
	[tilespmem:$0x19320] =	vst v63  }
0x30: {  	_ =	swait.ge [sflag:s18], $0xC800  }
0x31: {  	[sflag:s18] =	ssyncset.done $0x0  }
0x32: {  	[sflag:s18] =	ssyncadd.s32 $0xFFFF3800  }
0x33: {  	[hbm4b:s14+s3] =	stream.linear.scatter [tilespmem:s17], [sflag:$0x3], $0xC800, $0x38;
	[tilespmem:$0x19320] =	vst v63  }
0x34: {  	_ =	swait.ge [sflag:s22], $0xC800  }
0x35: {  	[sflag:s22] =	ssyncset.done $0x0  }
0x36: {  	s24 =	sadd.s32 $0x0, s12;
	[sflag:s22] =	ssyncadd.s32 $0xFFFF3800  }
0x37: {  	[tilespmem:s16], [sflag:$0x5] =	stream.linear.gather [hbm4b:s24+s3], $0x190, $0x38;
	[tilespmem:$0x19320] =	vst v63  }
0x38: {  	_ =	swait.ge [sflag:s15], $0x190  }
0x39: {  	[sflag:s15] =	ssyncset.done $0x0  }
0x3a: {  	[sflag:s15] =	ssyncadd.s32 $0xFFFFFE70  }
0x3b: {  	[tilespmem:s19], [sflag:$0x2] =	stream.indirect.gather [hbm4b:s1+s16], $0x80, s16, s16, $0xb8;
	[tilespmem:$0x19320] =	vst v63  }
0x3c: {  	_ =	swait.ge [sflag:s20], $0xC800  }
0x3d: {  	[sflag:s20] =	ssyncset.done $0x0  }
0x3e: {  	[sflag:s20] =	ssyncadd.s32 $0xFFFF3800  }
0x3f: {  	[hbm4b:s13+s3] =	stream.linear.scatter [tilespmem:s19], [sflag:$0x4], $0xC800, $0x38;
	[tilespmem:$0x19320] =	vst v63  }
0x40: {  	_ =	swait.ge [sflag:s21], $0xC800  }
0x41: {  	[sflag:s21] =	ssyncset.done $0x0  }
0x42: {  	s31 =	sadd.s32 $0x0, s11;
	[sflag:s21] =	ssyncadd.s32 $0xFFFF3800  }
0x43: {  	[tilespmem:s3], [sflag:$0x5] =	stream.linear.gather [hbm4b:s31+s3], $0x190, $0x38;
	[tilespmem:$0x19320] =	vst v63  }
0x44: {  	_ =	swait.ge [sflag:s15], $0x190  }
0x45: {  	s25 =	sadd.s32 $0x3200, s13;
	[sflag:s15] =	ssyncset.done $0x0  }
0x46: {  	s26 =	sadd.s32 $0x3200, s14;
	s24 =	simm.s32 $0x64;
	[sflag:s15] =	ssyncadd.s32 $0xFFFFFE70  }
.LBB2_2:
0x47: {  	[tilespmem:s17], [sflag:$0x1] =	stream.indirect.gather [hbm4b:s1+s16], $0x80, s3, s16, $0xb8;
	[tilespmem:$0x19320] =	vst v63  }
0x48: {  	s28 =	smov.u32 s24  }
0x49: {  	p0 =	sne.s32 s24, $0x12C;
	s24 =	sadd.s32 $0x64, s24;
	_ =	swait.ge [sflag:s18], $0xC800  }
0x4a: {  	[sflag:s18] =	ssyncset.done $0x0  }
0x4b: {  	[sflag:s18] =	ssyncadd.s32 $0xFFFF3800  }
0x4c: {  	[hbm4b:s26+s3] =	stream.linear.scatter [tilespmem:s17], [sflag:$0x3], $0xC800, $0x38;
	[tilespmem:$0x19320] =	vst v63  }
0x4d: {  	_ =	swait.ge [sflag:s22], $0xC800  }
0x4e: {  	[sflag:s22] =	ssyncset.done $0x0  }
0x4f: {  	s29 =	sadd.s32 s28, s12;
	[sflag:s22] =	ssyncadd.s32 $0xFFFF3800  }
0x50: {  	[tilespmem:s16], [sflag:$0x5] =	stream.linear.gather [hbm4b:s29+s3], $0x190, $0x38;
	[tilespmem:$0x19320] =	vst v63  }
0x51: {  	_ =	swait.ge [sflag:s15], $0x190  }
0x52: {  	[sflag:s15] =	ssyncset.done $0x0  }
0x53: {  	[sflag:s15] =	ssyncadd.s32 $0xFFFFFE70  }
0x54: {  	[tilespmem:s19], [sflag:$0x2] =	stream.indirect.gather [hbm4b:s1+s16], $0x80, s16, s16, $0xb8;
	[tilespmem:$0x19320] =	vst v63  }
0x55: {  	_ =	swait.ge [sflag:s20], $0xC800  }
0x56: {  	[sflag:s20] =	ssyncset.done $0x0  }
0x57: {  	[sflag:s20] =	ssyncadd.s32 $0xFFFF3800  }
0x58: {  	[hbm4b:s25+s3] =	stream.linear.scatter [tilespmem:s19], [sflag:$0x4], $0xC800, $0x38;
	[tilespmem:$0x19320] =	vst v63  }
0x59: {  	_ =	swait.ge [sflag:s21], $0xC800  }
0x5a: {  	[sflag:s21] =	ssyncset.done $0x0  }
.Ltmp0:
0x5b: {  	s28 =	sadd.s32 s28, s11;
	[sflag:s21] =	ssyncadd.s32 $0xFFFF3800;
	(pc) =	sbr.rel @p0 .LBB2_2-.Ltmp0, $4  }
0x5c: {  	[tilespmem:s3], [sflag:$0x5] =	stream.linear.gather [hbm4b:s28+s3], $0x190, $0x38;
	[tilespmem:$0x19320] =	vst v63  }
0x5d: {  	_ =	swait.ge [sflag:s15], $0x190  }
0x5e: {  	[sflag:s15] =	ssyncset.done $0x0  }
0x5f: {  	s26 =	sadd.s32 $0x3200, s26;
	s25 =	sadd.s32 $0x3200, s25;
	[sflag:s15] =	ssyncadd.s32 $0xFFFFFE70  }
0x60: {  	[tilespmem:s17], [sflag:$0x1] =	stream.indirect.gather [hbm4b:s1+s16], $0x80, s3, s16, $0xb8;
	[tilespmem:$0x19320] =	vst v63  }
0x61: {  	_ =	swait.ge [sflag:s18], $0xC800  }
0x62: {  	[sflag:s18] =	ssyncset.done $0x0  }
0x63: {  	s23 =	sadd.s32 $0x1, s23;
	[sflag:s18] =	ssyncadd.s32 $0xFFFF3800  }
0x64: {  	[hbm4b:s5+s3] =	stream.linear.scatter [tilespmem:s17], [sflag:$0x3], $0xC800, $0x38;
	[tilespmem:$0x19320] =	vst v63  }
0x65: {  	p0 =	sne.s32 s23, s6;
	_ =	swait.ge [sflag:s22], $0xC800  }
.Ltmp1:
0x66: {  	[sflag:s22] =	ssyncset.done $0x0;
	(pc) =	sbr.rel @p0 .LBB2_1-.Ltmp1, $4  }
0x67: {  	[sflag:s22] =	ssyncadd.s32 $0xFFFF3800  }
0x68: {  	_ =	swait.ge [sflag:s21], $0xC800  }
0x69: {  	[sflag:s21] =	ssyncset.done $0x0  }
0x6a: {  	[sflag:s21] =	ssyncadd.s32 $0xFFFF3800  }
0x6b: {  	_ =	sfence.sel $0x180000  }
0x6c: {  	[bflag:$0x0] =	sbarrier.arrive $0xFFFF  }
0x6d: {  	p0 =	sne.s32 s2, $0x0;
	_ =	strace $0x9000004D  }
0x6e: {  	s0 =	sadd.s32 @!p0 $0x100000, s0;
	[bflag:$0x2] =	sbarrier.arrive $0xFFFF  }
0x6f: {  	[sflag:s0] =	ssyncadd.tile.s32 @!p0 $0x1;
	_ =	shalt  }
.Lfunc_end2:
_tile_overlayer_lowered:
.L_overlay_start_2:
0x70: {  	(tag) =	ssettag $0x2  }
0x71: {  	s0 =	rddreg [dreg:$0x0];
	s2 =	stileid.u32  }
0x72: {  	s1 =	rddreg [dreg:$0x1];
	p0 =	sne.s32 s2, $0x0  }
0x73: {  	s3 =	rddreg [dreg:$0x2];
	[bflag:$0x3] =	sbarrier.arrive $0xFFFF;
	s2 =	simm.s32 @!p0 $0x1C05  }
0x74: {  	[timem:s3], [sflag:s2] =	dma.local @!p0 [hbm:s0], s1  }
0x75: {  	s0 =	simm.s32 @!p0 $0x5  }
0x76: {  	_ =	swait.ge @!p0 [sflag:s0], s1  }
0x77: {  	s1 =	ssub.s32 @!p0 $0x0, s1;
	[sflag:s0] =	ssyncset.done @!p0 $0x0  }
0x78: {  	[sflag:s0] =	ssyncadd.s32 @!p0 s1  }
0x79: {  	[bflag:$0x3] =	sbarrier.arrive $0xFFFF  }
0x7a: {  	_ =	shalt  }

// kernel: kernel.8.cloned.1.call-start
scs
__scs_entry_jumppad:
0x0: {  	(pc) =	sbr.rel $0x88, $3  }
0x1: {  	(tag) =	ssettag $0x0;
	lr =	simm.s32 $0x1  }
0x2: {  	[smem:$0x3F9E] =	sst lr;
	_ =	strace $0xD0000000  }
0x3: {  	_ = 	snop  }
0x4: {  	_ = 	snop  }
0x5: {  	_ = 	snop  }
0x6: {  	_ = 	snop  }
0x7: {  	_ = 	snop  }
__scs_overlays_trampoline_lowered:
0x8: {  	[smem:$0x3FAD] =	sst s0  }
0x9: {  	[smem:$0x3FAE] =	sst s1  }
0xa: {  	[smem:$0x3FAF] =	sst s2  }
0xb: {  	[smem:$0x3FB0] =	sst s3  }
0xc: {  	[smem:$0x3FB1] =	sst s4  }
0xd: {  	[smem:$0x3FB2] =	sst s5  }
0xe: {  	[smem:$0x3FB3] =	sst s6  }
0xf: {  	[smem:$0x3FB4] =	sst s7  }
0x10: {  	[smem:$0x3FB5] =	sst s8  }
0x11: {  	[smem:$0x3FB6] =	sst s9;
	s0 =	simm.s32 @!p0 $0x0  }
0x12: {  	s1 =	sld [smem:$0x3F9C];
	s0 =	simm.s32 @p0 $0x1  }
0x13: {  	[smem:$0x3FB7] =	sst s0;
	s0 =	simm.s32 @!p1 $0x0  }
0x14: {  	s2 =	sld [smem:$0x3F9B];
	s0 =	simm.s32 @p1 $0x1  }
0x15: {  	[smem:$0x3FB8] =	sst s0;
	s0 =	simm.s32 @!p2 $0x0  }
0x16: {  	s3 =	sld [smem:$0x3FDB];
	s0 =	simm.s32 @p2 $0x1  }
0x17: {  	s4 =	simm.s32 $0x1BF5;
	[smem:$0x3FBA] =	sst s0  }
0x18: {  	s0 =	sld [smem:$0x3F9D];
	_ =	swait.ge [sflag:s4], $0x0  }
0x19: {  	s7 =	sld [smem:$0x3F9E]  }
0x1a: {  	s8 =	sadd.s32 $0xFFFFE003, lr  }
0x1b: {  	s9 =	sadd.s32 $0xFFFFFEF7, lr;
	s5 =	simm.s32 $0xFFFFFFFF;
	p2 =	slt.u32 s8, $0xFFFFF086  }
0x1c: {  	p1 =	slt.u32 s9, $0xF7A;
	s5 =	simm.s32 @!p2 $0x0  }
0x1d: {  	s5 =	simm.s32 @p1 $0x1;
	p0 =	seq.s32 s7, s2  }
0x1e: {  	s7 =	smul.u32 @!p0 $0xF7A, s2;
	p2 =	seq.s32 @!p0 s5, $0x0  }
0x1f: {  	s9 =	smul.u32 $0xF7A, s1;
	s8 =	simm.s32 @!p0 $0x1BF5;
	p2 =	por !p2, p0  }
0x20: {  	[sflag:s8] =	ssyncset.s32 @!p0 $0xFFFFF086;
	s6 =	sadd.s32 @!p0 s3, s7;
	s7 =	simm.s32 @!p0 $0x108  }
0x21: {  	s3 =	sadd.s32 s3, s9;
	s6 =	sadd.s32 @!p0 $0x88, s6;
	s7 =	simm.s32 @p2 $0x1082  }
0x22: {  	[simem:s7], [sflag:s8] =	dma.local @!p0 [hbm:s6], $0xF7A  }
0x23: {  	s9 =	sor.u32 $0xD0000000, s2;
	s6 =	simm.s32 $0x108;
	_ =	swait.ge @!p0 [sflag:s8], $0x0  }
0x24: {  	s3 =	sadd.s32 $0x88, s3;
	s6 =	simm.s32 @!p1 $0x1082;
	[sflag:s4] =	ssyncset.s32 $0xFFFFF086  }
0x25: {  	[simem:s6], [sflag:s4] =	dma.local [hbm:s3], $0xF7A  }
0x26: {  	[smem:$0x3F9E] =	sst s1;
	(tag) =	ssettag s2;
	_ =	strace s9  }
0x27: {  	s1 =	sld [smem:$0x3FAE]  }
0x28: {  	s2 =	sld [smem:$0x3FAF]  }
0x29: {  	s4 =	sld [smem:$0x3FB1]  }
0x2a: {  	p0 =	seq.s32 s5, $0x0;
	s5 =	sld [smem:$0x3FB2]  }
0x2b: {  	s6 =	sld [smem:$0x3FB3]  }
0x2c: {  	s7 =	sld [smem:$0x3FB4]  }
0x2d: {  	s3 =	simm.s32 $0x108;
	s8 =	sld [smem:$0x3FB5]  }
0x2e: {  	s3 =	simm.s32 @!p0 $0x1082;
	s9 =	sld [smem:$0x3FB6]  }
0x2f: {  	lr =	sadd.s32 s0, s3;
	s0 =	sld [smem:$0x3FAD]  }
0x30: {  	s3 =	sld [smem:$0x3FB0]  }
0x31: {  	[smem:$0x3FB9] =	sst s10  }
0x32: {  	s10 =	sld [smem:$0x3FB7];
	_ =	sdelay $0x3  }
0x33: {  	p0 =	seq.s32 s10, $0x1;
	s10 =	sld [smem:$0x3FB9];
	_ =	sdelay $0x3  }
0x34: {  	[smem:$0x3FB9] =	sst s10  }
0x35: {  	s10 =	sld [smem:$0x3FB8];
	_ =	sdelay $0x3  }
0x36: {  	p1 =	seq.s32 s10, $0x1;
	s10 =	sld [smem:$0x3FB9];
	_ =	sdelay $0x3  }
0x37: {  	[smem:$0x3FB9] =	sst s10  }
0x38: {  	s10 =	sld [smem:$0x3FBA]  }
0x39: {  	_ = 	snop;
	(pc) =	sbr.ind lr, $3  }
0x3a: {  	_ = 	snop  }
0x3b: {  	_ = 	snop  }
0x3c: {  	p2 =	seq.s32 s10, $0x1;
	s10 =	sld [smem:$0x3FB9]  }
0x3d: {  	_ =	shalt  }
0x3e: {  	_ =	shalt  }
0x3f: {  	_ =	shalt  }
0x40: {  	_ =	shalt  }
0x41: {  	_ =	shalt  }
0x42: {  	_ =	shalt  }
0x43: {  	_ =	shalt  }
0x44: {  	_ =	shalt  }
0x45: {  	_ =	shalt  }
0x46: {  	_ =	shalt  }
0x47: {  	_ =	shalt  }
0x48: {  	_ =	shalt  }
0x49: {  	_ =	shalt  }
0x4a: {  	_ =	shalt  }
0x4b: {  	_ =	shalt  }
0x4c: {  	_ =	shalt  }
0x4d: {  	_ =	shalt  }
0x4e: {  	_ =	shalt  }
0x4f: {  	_ =	shalt  }
0x50: {  	_ =	shalt  }
0x51: {  	_ =	shalt  }
0x52: {  	_ =	shalt  }
0x53: {  	_ =	shalt  }
0x54: {  	_ =	shalt  }
0x55: {  	_ =	shalt  }
0x56: {  	_ =	shalt  }
0x57: {  	_ =	shalt  }
0x58: {  	_ =	shalt  }
0x59: {  	_ =	shalt  }
0x5a: {  	_ =	shalt  }
0x5b: {  	_ =	shalt  }
0x5c: {  	_ =	shalt  }
0x5d: {  	_ =	shalt  }
0x5e: {  	_ =	shalt  }
0x5f: {  	_ =	shalt  }
0x60: {  	_ =	shalt  }
0x61: {  	_ =	shalt  }
0x62: {  	_ =	shalt  }
0x63: {  	_ =	shalt  }
0x64: {  	_ =	shalt  }
0x65: {  	_ =	shalt  }
0x66: {  	_ =	shalt  }
0x67: {  	_ =	shalt  }
0x68: {  	_ =	shalt  }
0x69: {  	_ =	shalt  }
0x6a: {  	_ =	shalt  }
0x6b: {  	_ =	shalt  }
0x6c: {  	_ =	shalt  }
0x6d: {  	_ =	shalt  }
0x6e: {  	_ =	shalt  }
0x6f: {  	_ =	shalt  }
0x70: {  	_ =	shalt  }
0x71: {  	_ =	shalt  }
0x72: {  	_ =	shalt  }
0x73: {  	_ =	shalt  }
0x74: {  	_ =	shalt  }
0x75: {  	_ =	shalt  }
0x76: {  	_ =	shalt  }
0x77: {  	_ =	shalt  }
0x78: {  	_ =	shalt  }
0x79: {  	_ =	shalt  }
0x7a: {  	_ =	shalt  }
0x7b: {  	_ =	shalt  }
0x7c: {  	_ =	shalt  }
0x7d: {  	_ =	shalt  }
0x7e: {  	_ =	shalt  }
0x7f: {  	_ =	shalt  }
0x80: {  	_ =	shalt  }
0x81: {  	_ =	shalt  }
0x82: {  	_ =	shalt  }
0x83: {  	_ =	shalt  }
0x84: {  	_ =	shalt  }
0x85: {  	_ =	shalt  }
0x86: {  	_ =	shalt  }
0x87: {  	_ =	shalt  }
.Lfunc_end0:
.L_simem_size_0:
called_computation_lowered:
.L_overlay_start_0:
0x88: {  	s2 =	sld [smem:$0x3FD9]  }
0x89: {  	s3 =	sld [smem:$0x3FFE];
	_ =	sdelay $0x1  }
0x8a: {  	s1 =	srdreg.scid  }
0x8b: {  	s0 =	sand.u32 $0x1, s1  }
0x8c: {  	s17 =	sshll.u32 s0, $0xA;
	s2 =	sadd.s32 s3, s2  }
0x8d: {  	s2 =	sadd.s32 s2, s17  }
0x8e: {  	[smem:$0x3FC5] =	sst s2  }
0x8f: {  	_ = 	snop  }
0x90: {  	s2 =	sld [smem:$0x3FC9];
	(tm) =	ssettm $0x1  }
0x91: {  	s18 =	sld [smem:$0x3FFB];
	_ =	sdelay $0x3  }
0x92: {  	_ =	strace s18  }
0x93: {  	s3 =	sld [smem:$0x3FFC];
	_ =	sdelay $0x3  }
0x94: {  	_ =	strace s3  }
0x95: {  	s3 =	sld [smem:$0x3FFD];
	_ =	sdelay $0x3  }
0x96: {  	_ =	strace s3  }
0x97: {  	_ =	strace $0x8FFFFFFF  }
0x98: {  	s19 =	sld [smem:$0x3FDB];
	_ =	sdelay $0x1  }
0x99: {  	s4 =	simm.s32 $_scs_section_size  }
0x9a: {  	s5 =	simm.s32 $_size__tile_overlayer_lowered;
	s6 =	simm.s32 $_tile_overlayer_lowered  }
0x9b: {  	s22 =	simm.s32 $0x1BFF;
	s21 =	sshll.u32 s6, $0x1;
	s3 =	sadd.s32 s4, s19  }
0x9c: {  	s7 =	simm.s32 $0x0;
	s20 =	sshll.u32 s5, $0x1;
	s5 =	sadd.s32 s21, s3  }
0x9d: {  	[timem:s7], [sflag:s22] =	dma.local [hbm:s5], s20  }
0x9e: {  	_ =	swait.ge [sflag:s22], s20  }
0x9f: {  	s4 =	ssub.s32 $0x0, s20;
	[sflag:s22] =	ssyncset.done $0x0  }
0xa0: {  	[sflag:s22] =	ssyncadd.s32 s4;
	_ =	sdelay $0x1  }
0xa1: {  	s23 =	simm.s32 $0x1B8B  }
0xa2: {  	_ =	swait.ge [sflag:s23], $0x1  }
0xa3: {  	[sflag:s23] =	ssyncset.done $0x0  }
0xa4: {  	s25 =	simm.s32 $0x1B8E;
	s24 =	sld [smem:$0x3FFE];
	[sflag:s23] =	ssyncadd.s32 $0xFFFFFFFF  }
0xa5: {  	s26 =	simm.s32 $execute0_lowered;
	[smem:$0x3FD2] =	sst s25  }
0xa6: {  	s5 =	sshll.u32 s26, $0x1;
	_ =	strace $0x80000046;
	[dreg:$0x1] =	wrdreg $0xFFFFFFFF  }
0xa7: {  	s28 =	simm.s32 $_size_execute0_lowered;
	s3 =	sadd.s32 s3, s5;
	[dreg:$0x0] =	wrdreg $0x0  }
0xa8: {  	s5 =	sshll.u32 s28, $0x1;
	[dreg:$0x2] =	wrdreg s3  }
0xa9: {  	[dreg:$0x3] =	wrdreg s5  }
0xaa: {  	[dreg:$0x4] =	wrdreg $0xC0  }
0xab: {  	_ =	task [dreg:s7], $0x5FFFF  }
0xac: {  	[dreg:$0x1] =	wrdreg $0xFFFFFFFF  }
0xad: {  	[dreg:$0x0] =	wrdreg $0x60  }
0xae: {  	[dreg:$0x2] =	wrdreg s2  }
0xaf: {  	[dreg:$0x3] =	wrdreg s24  }
0xb0: {  	[dreg:$0x4] =	wrdreg $0x9  }
0xb1: {  	_ =	task.clear_ibuf [dreg:s7], $0x5FFFF;
	_ =	strace $0x90000046  }
0xb2: {  	s29 =	simm.s32 $0x9;
	_ =	strace $0x80000048  }
0xb3: {  	_ =	swait.ge [sflag:s29], $0x1  }
0xb4: {  	[sflag:s29] =	ssyncadd.s32 $0xFFFFFFFF  }
0xb5: {  	_ =	strace $0x90000048  }
0xb6: {  	_ =	sfence  }
0xb7: {  	s30 =	sld [smem:$0x0];
	_ =	sdelay $0x2  }
0xb8: {  	s31 =	sshll.u32 s1, $0xD;
	s1 =	sshrl.u32 s1, $0x2  }
0xb9: {  	s3 =	sand.u32 $0x4000, s31;
	s1 =	sadd.s32 s1, s30  }
0xba: {  	s0 =	sor.u32 s3, s0;
	s1 =	sshll.u32 s1, $0x11  }
0xbb: {  	s0 =	sor.u32 s1, s0  }
0xbc: {  	s0 =	sadd.s32 $0x8F2B, s0  }
0xbd: {  	[sflag:s0] =	ssyncadd.remote.s32 $0x1  }
0xbe: {  	_ =	sfence.sel $0xFFFF  }
0xbf: {  	[dreg:$0x0] =	wrdreg $0xFFFFFFFF;
	(pc) =	sbr.abs _section_cstart, $3  }
0xc0: {  	[dreg:$0x1] =	wrdreg $0xFFFFFFFF  }
0xc1: {  	_ =	task.clear_ibuf [dreg:s7], $0x2FFFF;
	_ =	strace $0x9FFFFFFF  }
0xc2: {  	(tm) =	ssettm $0x7FFFFFFF  }
0xc3: {  	_ =	shalt  }
tec
execute0_lowered:
.L_overlay_start_1:
0x0: {  	(tag) =	ssettag $0x1  }
0x1: {  	s2 =	rddreg [dreg:$0x0]  }
0x2: {  	s1 =	srdreg.scid;
	s0 =	stileid.u32  }
0x3: {  	s4 =	rddreg [dreg:$0x1];
	s3 =	simm.s32 $0x0;
	s17 =	simm.s32 $0x1  }
0x4: {  	s18 =	simm.s32 $0x6590;
	s19 =	simm.s32 $0x2;
	s20 =	simm.s32 $0x3  }
0x5: {  	s21 =	simm.s32 $0x4;
	s22 =	simm.s32 $0x0;
	s13 =	smul.u32 $0x12C0, s0  }
0x6: {  	s10 =	sand.u32 $0x1, s1;
	s1 =	rddreg [dreg:$0x2];
	s29 =	smul.u32 $0x12C00, s0  }
0x7: {  	s5 =	sshll.u32 s0, $0x1;
	[smem:$0x7FF] =	sst s3;
	s14 =	smul.u32 $0x960, s10  }
0x8: {  	s12 =	sadd.s32 $0xE00, s4;
	s5 =	sor.u32 s10, s5;
	s16 =	smul.u32 $0x9600, s10  }
0x9: {  	s11 =	sadd.s32 $0xAC00, s4;
	s7 =	ssub.s32 $0x2, s10;
	s6 =	smul.u32 $0x960, s5  }
0xa: {  	_ =	strace $0x80000047;
	s25 =	sshrl.u32 s7, $0x1;
	s26 =	smul.u32 $0x9600, s5  }
0xb: {  	s7 =	ssub.s32 s7, s25;
	s13 =	sadd.s32 s14, s13;
	s14 =	sadd.s32 s29, s11  }
0xc: {  	s8 =	sshrl.u32 s6, $0x3;
	s6 =	sadd.s32 $0xC8, s6;
	s5 =	smax.u32 s7, $0x1  }
0xd: {  	s15 =	sadd.s32 $0x320, s13;
	s13 =	sadd.s32 $0x258, s13;
	s14 =	sadd.s32 s16, s14  }
0xe: {  	s16 =	simm.s32 $0x190;
	s4 =	sadd.s32 s12, s8;
	s28 =	sshrl.u32 s6, $0x3  }
.Ltmp0:
0xf: {  	s9 =	sshll.u32 s6, $0x4;
	s6 =	sadd.s32 s11, s26;
	(pc) =	sbr.rel .LBB2_1-.Ltmp0, $4  }
0x10: {  	s30 =	sshrl.u32 s15, $0x3;
	s13 =	sshrl.u32 s13, $0x3;
	s15 =	simm.s32 $0xC8  }
0x11: {  	s7 =	sadd.s32 s12, s28;
	s8 =	sadd.s32 s11, s9;
	s9 =	sadd.s32 $0x32, s4  }
0x12: {  	s10 =	sadd.s32 s30, s12;
	s31 =	sshll.u32 s13, $0x7;
	s12 =	sadd.s32 s13, s12  }
0x13: {  	s13 =	sadd.s32 $0x1900, s14;
	s14 =	simm.s32 $0x5;
	s11 =	sadd.s32 s31, s11  }
.LBB2_4:
0x14: {  	s22 =	sadd.s32 $0x1, s22  }
0x15: {  	p0 =	sne.s32 s22, s5  }
.Ltmp1:
0x16: {  	_ = 	snop;
	(pc) =	sbr.rel @!p0 .LBB2_5-.Ltmp1, $4  }
0x17: {  	_ = 	snop  }
0x18: {  	_ =	swait.ge [sflag:s21], $0x6400  }
0x19: {  	[sflag:s21] =	ssyncset.done $0x0  }
0x1a: {  	[sflag:s21] =	ssyncadd.s32 $0xFFFF9C00  }
.LBB2_1:
0x1b: {  	[tilespmem:s3], [sflag:$0x5] =	stream.linear.gather [hbm4b:s4+s3], $0xC8, $0x38;
	[tilespmem:$0xC990] =	vst v63  }
0x1c: {  	_ =	swait.ge [sflag:s14], $0xC8  }
0x1d: {  	[sflag:s14] =	ssyncset.done $0x0  }
0x1e: {  	[sflag:s14] =	ssyncadd.s32 $0xFFFFFF38  }
0x1f: {  	[tilespmem:s16], [sflag:$0x1] =	stream.indirect.gather [hbm4b:s2+s15], $0x80, s3, s15, $0xb8;
	[tilespmem:$0xC990] =	vst v63  }
0x20: {  	_ =	swait.ge [sflag:s17], $0x6400  }
0x21: {  	[sflag:s17] =	ssyncset.done $0x0  }
0x22: {  	[sflag:s17] =	ssyncadd.s32 $0xFFFF9C00  }
0x23: {  	[hbm4b:s6+s3] =	stream.linear.scatter [tilespmem:s16], [sflag:$0x3], $0x6400, $0x38;
	[tilespmem:$0xC990] =	vst v63  }
0x24: {  	_ = 	snop  }
0x25: {  	[tilespmem:s15], [sflag:$0x5] =	stream.linear.gather [hbm4b:s7+s3], $0xC8, $0x38;
	[tilespmem:$0xC990] =	vst v63  }
0x26: {  	_ =	swait.ge [sflag:s14], $0xC8  }
0x27: {  	[sflag:s14] =	ssyncset.done $0x0  }
0x28: {  	[sflag:s14] =	ssyncadd.s32 $0xFFFFFF38  }
0x29: {  	[tilespmem:s18], [sflag:$0x2] =	stream.indirect.gather [hbm4b:s2+s15], $0x80, s15, s15, $0xb8;
	[tilespmem:$0xC990] =	vst v63  }
0x2a: {  	_ =	swait.ge [sflag:s19], $0x6400  }
0x2b: {  	[sflag:s19] =	ssyncset.done $0x0  }
0x2c: {  	[sflag:s19] =	ssyncadd.s32 $0xFFFF9C00  }
0x2d: {  	[hbm4b:s8+s3] =	stream.linear.scatter [tilespmem:s18], [sflag:$0x4], $0x6400, $0x38;
	[tilespmem:$0xC990] =	vst v63  }
0x2e: {  	_ =	swait.ge [sflag:s20], $0x6400  }
0x2f: {  	[sflag:s20] =	ssyncset.done $0x0  }
0x30: {  	[sflag:s20] =	ssyncadd.s32 $0xFFFF9C00  }
0x31: {  	[tilespmem:s3], [sflag:$0x5] =	stream.linear.gather [hbm4b:s9+s3], $0xC8, $0x38;
	[tilespmem:$0xC990] =	vst v63  }
0x32: {  	_ =	swait.ge [sflag:s14], $0xC8  }
0x33: {  	s23 =	smov.u32 s13;
	[sflag:s14] =	ssyncset.done $0x0  }
0x34: {  	s24 =	smov.u32 s11;
	s25 =	simm.s32 $0x0;
	[sflag:s14] =	ssyncadd.s32 $0xFFFFFF38  }
0x35: {  	[tilespmem:s16], [sflag:$0x1] =	stream.indirect.gather [hbm4b:s2+s15], $0x80, s3, s15, $0xb8;
	[tilespmem:$0xC990] =	vst v63  }
.LBB2_2:
0x36: {  	_ =	swait.ge [sflag:s17], $0x6400  }
0x37: {  	[sflag:s17] =	ssyncset.done $0x0  }
0x38: {  	[sflag:s17] =	ssyncadd.s32 $0xFFFF9C00  }
0x39: {  	[hbm4b:s23+s3] =	stream.linear.scatter [tilespmem:s16], [sflag:$0x3], $0x6400, $0x38;
	[tilespmem:$0xC990] =	vst v63  }
0x3a: {  	_ =	swait.ge [sflag:s21], $0x6400  }
0x3b: {  	[sflag:s21] =	ssyncset.done $0x0  }
0x3c: {  	s26 =	sadd.s32 s25, s12;
	[sflag:s21] =	ssyncadd.s32 $0xFFFF9C00  }
0x3d: {  	[tilespmem:s15], [sflag:$0x5] =	stream.linear.gather [hbm4b:s26+s3], $0xC8, $0x38;
	[tilespmem:$0xC990] =	vst v63  }
0x3e: {  	_ =	swait.ge [sflag:s14], $0xC8  }
0x3f: {  	[sflag:s14] =	ssyncset.done $0x0  }
0x40: {  	[sflag:s14] =	ssyncadd.s32 $0xFFFFFF38  }
0x41: {  	[tilespmem:s18], [sflag:$0x2] =	stream.indirect.gather [hbm4b:s2+s15], $0x80, s15, s15, $0xb8;
	[tilespmem:$0xC990] =	vst v63  }
0x42: {  	_ =	swait.ge [sflag:s19], $0x6400  }
0x43: {  	p0 =	seq.s32 s25, $0xC8;
	[sflag:s19] =	ssyncset.done $0x0  }
.Ltmp2:
0x44: {  	[sflag:s19] =	ssyncadd.s32 $0xFFFF9C00;
	(pc) =	sbr.rel @p0 .LBB2_4-.Ltmp2, $4  }
0x45: {  	[hbm4b:s24+s3] =	stream.linear.scatter [tilespmem:s18], [sflag:$0x4], $0x6400, $0x38;
	[tilespmem:$0xC990] =	vst v63  }
0x46: {  	_ =	swait.ge [sflag:s20], $0x6400  }
0x47: {  	[sflag:s20] =	ssyncset.done $0x0  }
0x48: {  	[sflag:s20] =	ssyncadd.s32 $0xFFFF9C00  }
0x49: {  	s26 =	sadd.s32 s25, s10  }
0x4a: {  	[tilespmem:s3], [sflag:$0x5] =	stream.linear.gather [hbm4b:s26+s3], $0xC8, $0x38;
	[tilespmem:$0xC990] =	vst v63  }
.Ltmp3:
0x4b: {  	_ = 	snop;
	(pc) =	sbr.rel .LBB2_2-.Ltmp3, $4  }
0x4c: {  	_ =	swait.ge [sflag:s14], $0xC8  }
0x4d: {  	s25 =	sadd.s32 $0x32, s25;
	[sflag:s14] =	ssyncset.done $0x0  }
0x4e: {  	s24 =	sadd.s32 $0x1900, s24;
	s23 =	sadd.s32 $0x1900, s23;
	[sflag:s14] =	ssyncadd.s32 $0xFFFFFF38  }
0x4f: {  	[tilespmem:s16], [sflag:$0x1] =	stream.indirect.gather [hbm4b:s2+s15], $0x80, s3, s15, $0xb8;
	[tilespmem:$0xC990] =	vst v63  }
.LBB2_5:
0x50: {  	_ =	sfence.sel $0x180000  }
0x51: {  	[bflag:$0x0] =	sbarrier.arrive $0xFFFF  }
0x52: {  	p0 =	sne.s32 s0, $0x0;
	_ =	strace $0x90000047  }
0x53: {  	s0 =	sadd.s32 @!p0 $0x100000, s1;
	[bflag:$0x2] =	sbarrier.arrive $0xFFFF  }
0x54: {  	[sflag:s0] =	ssyncadd.tile.s32 @!p0 $0x1;
	_ =	shalt  }
.Lfunc_end2:
_tile_overlayer_lowered:
.L_overlay_start_2:
0x55: {  	(tag) =	ssettag $0x2  }
0x56: {  	s0 =	rddreg [dreg:$0x0];
	s2 =	stileid.u32  }
0x57: {  	s1 =	rddreg [dreg:$0x1];
	p0 =	sne.s32 s2, $0x0  }
0x58: {  	s3 =	rddreg [dreg:$0x2];
	[bflag:$0x3] =	sbarrier.arrive $0xFFFF;
	s2 =	simm.s32 @!p0 $0x1C05  }
0x59: {  	[timem:s3], [sflag:s2] =	dma.local @!p0 [hbm:s0], s1  }
0x5a: {  	s0 =	simm.s32 @!p0 $0x5  }
0x5b: {  	_ =	swait.ge @!p0 [sflag:s0], s1  }
0x5c: {  	s1 =	ssub.s32 @!p0 $0x0, s1;
	[sflag:s0] =	ssyncset.done @!p0 $0x0  }
0x5d: {  	[sflag:s0] =	ssyncadd.s32 @!p0 s1  }
0x5e: {  	[bflag:$0x3] =	sbarrier.arrive $0xFFFF  }
0x5f: {  	_ =	shalt  }

</sc_bundles>
